<compile_context>
chip_gen: v7x
topology: tpu7x:2x2x1
jax: 0.10.2.dev20260603
libtpu: 0.0.44.dev20260713+nightly
codegen_flags: <defaults>
</compile_context>

<pallas_src>
import dataclasses
import functools

import jax
import jax.numpy as jnp
from jax import lax
from jax.experimental import pallas as pl
from jax.experimental.pallas import tpu as pltpu
from jax.experimental.pallas import tpu_sc as plsc

CAP = 1_000_000
NEG = -3.0e38
IBIG = 2**31 - 1
PADCAP = ((CAP + 127) // 128) * 128

LEN = 31488
SC_CHUNK = LEN // 2
LAST_SC_BASE = PADCAP - LEN

_sc_mesh = plsc.VectorSubcoreMesh(core_axis_name="c", subcore_axis_name="s")
_sc_cp = pltpu.CompilerParams()
if "needs_layout_passes" in pltpu.CompilerParams.__dataclass_fields__:
    _sc_cp = dataclasses.replace(_sc_cp, needs_layout_passes=False)


def _sc_trunc(v):
    return plsc.unpack(plsc.pack(v, v, format=plsc.PackFormat.INTERLEAVED),
                       format=plsc.PackFormat.INTERLEAVED)[0]


@functools.partial(
    pl.kernel, mesh=_sc_mesh, compiler_params=_sc_cp,
    out_type=[jax.ShapeDtypeStruct((32, 16), jnp.float32),
              jax.ShapeDtypeStruct((32, 16), jnp.int32)],
    scratch_types=[
        pltpu.VMEM((4, SC_CHUNK), jnp.float32),
        pltpu.VMEM((4, SC_CHUNK), jnp.float32),
        pltpu.VMEM((4, 16), jnp.float32),
        pltpu.VMEM((16,), jnp.int32),
        pltpu.VMEM((16,), jnp.float32),
        pltpu.VMEM((16,), jnp.int32),
        pltpu.SemaphoreType.DMA,
        pltpu.SemaphoreType.DMA,
    ],
)
def _sc_kernel(bufT_hbm, phb_hbm, kib_hbm, omax_hbm, oidx_hbm,
               chunk_a, chunk_b, ph_v, kill_v, vmax_v, vidx_v, sem_a, sem_b):
    c = lax.axis_index("c")
    s = lax.axis_index("s")
    wid = c * 16 + s
    base = pl.multiple_of(jnp.minimum(wid * LEN, LAST_SC_BASE), 128)
    cp_a = pltpu.make_async_copy(
        bufT_hbm.at[pl.ds(0, 4), pl.ds(base, SC_CHUNK)], chunk_a, sem_a)
    cp_b = pltpu.make_async_copy(
        bufT_hbm.at[pl.ds(0, 4), pl.ds(base + SC_CHUNK, SC_CHUNK)], chunk_b, sem_b)
    cp_a.start()
    cp_b.start()
    pltpu.sync_copy(phb_hbm, ph_v)
    pltpu.sync_copy(kib_hbm, kill_v)
    p0 = ph_v[0, :]
    p1 = ph_v[1, :]
    p2 = ph_v[2, :]
    p3 = ph_v[3, :]
    kill = kill_v[...]
    iota = lax.iota(jnp.int32, 16)

    def _scan(chunk_v, cbase, carry):
        def _step(g, mv):
            vmax, vidx = mv
            t0 = _sc_trunc(chunk_v[0, pl.ds(g, 16)])
            t1 = _sc_trunc(chunk_v[1, pl.ds(g, 16)])
            t2 = _sc_trunc(chunk_v[2, pl.ds(g, 16)])
            t3 = _sc_trunc(chunk_v[3, pl.ds(g, 16)])
            sim = (t0 * p0 + t1 * p1) + (t2 * p2 + t3 * p3)
            gidx = (cbase + g) + iota
            upd = (sim > vmax) & (gidx != kill) & (gidx < CAP)
            return (jnp.where(upd, sim, vmax), jnp.where(upd, gidx, vidx))

        def body(i, mv):
            g = i * 64
            mv = _step(g, mv)
            mv = _step(g + 16, mv)
            mv = _step(g + 32, mv)
            mv = _step(g + 48, mv)
            return mv

        return lax.fori_loop(0, SC_CHUNK // 64, body, carry)

    carry = (jnp.full((16,), NEG, jnp.float32), jnp.full((16,), IBIG, jnp.int32))
    cp_a.wait()
    carry = _scan(chunk_a, base, carry)
    cp_b.wait()
    vmax, vidx = _scan(chunk_b, base + SC_CHUNK, carry)

    vmax_v[...] = vmax
    vidx_v[...] = vidx
    pltpu.sync_copy(vmax_v, omax_hbm.at[wid])
    pltpu.sync_copy(vidx_v, oidx_hbm.at[wid])



def _merge_body(idx_ref, phs_ref, scmax_ref, scidx_ref,
                trajT_ref, bufT_any, out_ref, gi_sm, wrow_ref, sem):
    idx = idx_ref[0]

    scm = scmax_ref[...]
    gmax = jnp.max(scm)
    gi0 = jnp.min(jnp.where(scm == gmax, scidx_ref[...], IBIG))
    gi_sm[0] = gi0
    gi = gi_sm[0]

    j0 = pl.multiple_of((gi // 128) * 128, 128)
    cp = pltpu.make_async_copy(bufT_any.at[:, pl.ds(j0, 128)], wrow_ref, sem)
    cp.start()
    cp.wait()
    colw = jax.lax.broadcasted_iota(jnp.int32, (8, 128), 1)
    w = jnp.where(colw == gi - j0, wrow_ref[...], 0.0)
    roww = jnp.sum(w, axis=1, keepdims=True)
    row_act = roww[4:7, :]

    asum = jnp.sum(trajT_ref[...], axis=1, keepdims=True)
    theta = jnp.sqrt(jnp.sum(asum * asum))
    axis = asum / (theta + 1e-8)
    qr = jnp.cos(theta)
    qi = axis * jnp.sin(theta)
    to_f = lambda x: x.astype(jnp.bfloat16).astype(jnp.float32)
    sim_e = (to_f(qr) * phs_ref[0] + to_f(qi[0, 0]) * phs_ref[1]
             + to_f(qi[1, 0]) * phs_ref[2] + to_f(qi[2, 0]) * phs_ref[3])
    win_e = (sim_e > gmax) | ((sim_e == gmax) & (idx < gi))

    res = jnp.where(win_e, asum, row_act)
    out_ref[...] = jnp.broadcast_to(res, (3, 128))


def _merge_call(idx, phase, scmax, scidx, trajT, bufT):
    return pl.pallas_call(
        _merge_body,
        grid=(1,),
        in_specs=[
            pl.BlockSpec(memory_space=pltpu.SMEM),
            pl.BlockSpec(memory_space=pltpu.SMEM),
            pl.BlockSpec((32, 16), lambda i: (0, 0)),
            pl.BlockSpec((32, 16), lambda i: (0, 0)),
            pl.BlockSpec((3, 8192), lambda i: (0, 0)),
            pl.BlockSpec(memory_space=pl.ANY),
        ],
        out_specs=pl.BlockSpec((3, 128), lambda i: (0, 0)),
        out_shape=jax.ShapeDtypeStruct((3, 128), jnp.float32),
        scratch_shapes=[
            pltpu.SMEM((1,), jnp.int32),
            pltpu.VMEM((8, 128), jnp.float32),
            pltpu.SemaphoreType.DMA,
        ],
    )(idx, phase, scmax, scidx, trajT, bufT)


def kernel(trajectory_lie_elements, value, current_phase, buffer, ptr):
    del value
    idx = (jnp.asarray(ptr, jnp.int32) % CAP).reshape(1)
    bufT = buffer.T
    trajT = trajectory_lie_elements.T
    phb = jnp.broadcast_to(current_phase.reshape(4, 1), (4, 16))
    kib = jnp.broadcast_to(idx, (16,))

    sc_max, sc_idx = _sc_kernel(bufT, phb, kib)
    out = _merge_call(idx, current_phase, sc_max, sc_idx, trajT, bufT)
    return out[:, 0]

# --- scband reference (transcript-rebuilt; emitter-appended) ---
"""Pipeline reference for scband-geodesic-path-integral-memory-56126632624396 (READ-ONLY COPY).

The authoritative reference and input builder live on the scoring server;
editing this copy changes nothing except your own understanding.
"""

import jax, jax.numpy as jnp
import numpy as np

CAPACITY = 1000000


def su2_exp_map(v):
    theta = jnp.linalg.norm(v, axis=-1, keepdims=True)
    axis = v / (theta + 1e-08)
    q_r = jnp.cos(theta)
    q_i = axis * jnp.sin(theta)
    return jnp.concatenate([q_r, q_i], axis=-1)


def setup_inputs(seed: int = 0) -> dict:
    key = jax.random.key(seed)
    k1, k2, k3, k4 = jax.random.split(key, 4)
    trajectory_lie_elements = jax.random.normal(k1, (8192, 3), dtype=jnp.float32)
    value = jax.random.normal(k2, (1,), dtype=jnp.float32)
    current_phase = jax.random.normal(k3, (4,), dtype=jnp.float32)
    # persistent memory buffer state (capacity, 8): [phase(4), action(3), value(1)]
    buffer = jax.random.normal(k4, (CAPACITY, 8), dtype=jnp.float32) * 0.01
    ptr = 12345
    return {
        'trajectory_lie_elements': trajectory_lie_elements,
        'value': value,
        'current_phase': current_phase,
        'buffer': buffer,
        'ptr': ptr,
    }


def reference(trajectory_lie_elements, value, current_phase, buffer, ptr):
    # push: compress trajectory into a single geodesic summary and scatter-write
    action_integral = jnp.sum(trajectory_lie_elements, axis=0)
    phase_summary = su2_exp_map(action_integral)
    idx = ptr % CAPACITY
    entry = jnp.concatenate([phase_summary, action_integral, value.reshape(-1)], axis=-1)
    buffer = buffer.at[idx].set(entry)
    # retrieve: spectral distance via matmul over all memory slots, then argmax gather
    similarities = jnp.matmul(buffer[:, :4], current_phase)
    best_idx = jnp.argmax(similarities)
    retrieved = buffer[best_idx, 4:7]
    return retrieved

if __name__ == "__main__":
    import jax
    _d = setup_inputs()
    print(jax.jit(kernel)(*tuple(_d.values())))

</pallas_src>

<mosaic_0001>
#map = affine_map<(d0, d1) -> (0, 0)>
#map1 = affine_map<(d0, d1) -> (0)>
module attributes {stable_mosaic.version = 14 : i64} {
  func.func @_sc_kernel(%arg0: i32, %arg1: i32, %arg2: memref<8x1000000xf32, #tpu.memory_space<hbm>>, %arg3: memref<4x16xf32, #tpu.memory_space<hbm>>, %arg4: memref<16xi32, #tpu.memory_space<hbm>>, %arg5: memref<32x16xf32, #tpu.memory_space<hbm>>, %arg6: memref<32x16xi32, #tpu.memory_space<hbm>>, %arg7: memref<4x15744xf32, #tpu.memory_space<vmem>>, %arg8: memref<4x15744xf32, #tpu.memory_space<vmem>>, %arg9: memref<4x16xf32, #tpu.memory_space<vmem>>, %arg10: memref<16xi32, #tpu.memory_space<vmem>>, %arg11: memref<16xf32, #tpu.memory_space<vmem>>, %arg12: memref<16xi32, #tpu.memory_space<vmem>>, %arg13: memref<!tpu.dma_semaphore, #tpu.memory_space<semaphore_mem>>, %arg14: memref<!tpu.dma_semaphore, #tpu.memory_space<semaphore_mem>>) attributes {dimension_semantics = [#tpu.dimension_semantics<core_parallel>, #tpu.dimension_semantics<subcore_parallel>], iteration_bounds = array<i64: 2, 16>, scalar_prefetch = 0 : i64, scratch_operands = 8 : i64, tpu.core_type = #tpu.core_type<sc_vector_subcore>, window_params = [{transform_indices = #map}, {transform_indices = #map}, {transform_indices = #map1}, {transform_indices = #map}, {transform_indices = #map}]} {
    %mul3A = arith.constant 16 : i32
    %mul3A_0 = arith.muli %arg0, %mul3A : i32
    %add3A = arith.addi %mul3A_0, %arg1 : i32
    %mul3A_1 = arith.constant 31488 : i32
    %mul3A_2 = arith.muli %add3A, %mul3A_1 : i32
    %min3A = arith.constant 968576 : i32
    %min3A_3 = arith.minsi %mul3A_2, %min3A : i32
    %multiple_of3A = tpu.assume_multiple %min3A_3, 128 : i32
    %add3A_4 = arith.constant 15744 : i32
    %add3A_5 = arith.addi %multiple_of3A, %add3A_4 : i32
    %dma_start3A = arith.constant 0 : i32
    %dma_start3A_6 = tpu.memref_slice %arg2[%dma_start3A, %multiple_of3A] : memref<8x1000000xf32, #tpu.memory_space<hbm>> -> memref<4x15744xf32, #tpu.memory_space<hbm>>
    %dma_start3A_7 = arith.constant 0 : i32
    %dma_start3A_8 = tpu.memref_slice %arg2[%dma_start3A_7, %multiple_of3A] : memref<8x1000000xf32, #tpu.memory_space<hbm>> -> memref<4x15744xf32, #tpu.memory_space<hbm>>
    tpu.enqueue_dma source(%dma_start3A_8 : memref<4x15744xf32, #tpu.memory_space<hbm>>) target(%arg7 : memref<4x15744xf32, #tpu.memory_space<vmem>>) target_semaphore(%arg13 : memref<!tpu.dma_semaphore, #tpu.memory_space<semaphore_mem>>)
    %dma_start3A_9 = arith.constant 0 : i32
    %dma_start3A_10 = tpu.memref_slice %arg2[%dma_start3A_9, %add3A_5] : memref<8x1000000xf32, #tpu.memory_space<hbm>> -> memref<4x15744xf32, #tpu.memory_space<hbm>>
    %dma_start3A_11 = arith.constant 0 : i32
    %dma_start3A_12 = tpu.memref_slice %arg2[%dma_start3A_11, %add3A_5] : memref<8x1000000xf32, #tpu.memory_space<hbm>> -> memref<4x15744xf32, #tpu.memory_space<hbm>>
    tpu.enqueue_dma source(%dma_start3A_12 : memref<4x15744xf32, #tpu.memory_space<hbm>>) target(%arg8 : memref<4x15744xf32, #tpu.memory_space<vmem>>) target_semaphore(%arg14 : memref<!tpu.dma_semaphore, #tpu.memory_space<semaphore_mem>>)
    "tpu.region"() ({
      %run_scoped3A = tpu.sem_alloc : memref<!tpu.dma_semaphore, #tpu.memory_space<semaphore_mem>>
      tpu.enqueue_dma source(%arg3 : memref<4x16xf32, #tpu.memory_space<hbm>>) target(%arg9 : memref<4x16xf32, #tpu.memory_space<vmem>>) target_semaphore(%run_scoped3A : memref<!tpu.dma_semaphore, #tpu.memory_space<semaphore_mem>>)
      tpu.wait_dma2 semaphore(%run_scoped3A : memref<!tpu.dma_semaphore, #tpu.memory_space<semaphore_mem>>) src(%arg3 : memref<4x16xf32, #tpu.memory_space<hbm>>) dst(%arg9 : memref<4x16xf32, #tpu.memory_space<vmem>>)
      tpu.yield
    }) : () -> ()
    "tpu.region"() ({
      %run_scoped3A = tpu.sem_alloc : memref<!tpu.dma_semaphore, #tpu.memory_space<semaphore_mem>>
      tpu.enqueue_dma source(%arg4 : memref<16xi32, #tpu.memory_space<hbm>>) target(%arg10 : memref<16xi32, #tpu.memory_space<vmem>>) target_semaphore(%run_scoped3A : memref<!tpu.dma_semaphore, #tpu.memory_space<semaphore_mem>>)
      tpu.wait_dma2 semaphore(%run_scoped3A : memref<!tpu.dma_semaphore, #tpu.memory_space<semaphore_mem>>) src(%arg4 : memref<16xi32, #tpu.memory_space<hbm>>) dst(%arg10 : memref<16xi32, #tpu.memory_space<vmem>>)
      tpu.yield
    }) : () -> ()
    %get3A = arith.constant 0 : i32
    %get3A_13 = arith.index_cast %get3A : i32 to index
    %get3A_14 = arith.constant 0 : index
    %get3A_15 = tpu.vector_load %arg9[%get3A_13, %get3A_14] {strides = array<i32>} : memref<4x16xf32, #tpu.memory_space<vmem>>, vector<16xf32>,
    %get3A_16 = arith.constant 1 : i32
    %get3A_17 = arith.index_cast %get3A_16 : i32 to index
    %get3A_18 = arith.constant 0 : index
    %get3A_19 = tpu.vector_load %arg9[%get3A_17, %get3A_18] {strides = array<i32>} : memref<4x16xf32, #tpu.memory_space<vmem>>, vector<16xf32>,
    %get3A_20 = arith.constant 2 : i32
    %get3A_21 = arith.index_cast %get3A_20 : i32 to index
    %get3A_22 = arith.constant 0 : index
    %get3A_23 = tpu.vector_load %arg9[%get3A_21, %get3A_22] {strides = array<i32>} : memref<4x16xf32, #tpu.memory_space<vmem>>, vector<16xf32>,
    %get3A_24 = arith.constant 3 : i32
    %get3A_25 = arith.index_cast %get3A_24 : i32 to index
    %get3A_26 = arith.constant 0 : index
    %get3A_27 = tpu.vector_load %arg9[%get3A_25, %get3A_26] {strides = array<i32>} : memref<4x16xf32, #tpu.memory_space<vmem>>, vector<16xf32>,
    %get3A_28 = arith.constant 0 : index
    %get3A_29 = tpu.vector_load %arg10[%get3A_28] {strides = array<i32>} : memref<16xi32, #tpu.memory_space<vmem>>, vector<16xi32>,
    %iota3A = tpu.iota {dimensions = array<i32: 0>} : vector<16xi32>
    %broadcast_in_dim3A = arith.constant -3.000000e+38 : f32
    %broadcast_in_dim3A_30 = vector.broadcast %broadcast_in_dim3A : f32 to vector<16xf32>
    %broadcast_in_dim3A_31 = arith.constant 2147483647 : i32
    %broadcast_in_dim3A_32 = vector.broadcast %broadcast_in_dim3A_31 : i32 to vector<16xi32>
    %dma_wait3A = arith.constant 0 : i32
    %dma_wait3A_33 = tpu.memref_slice %arg2[%dma_wait3A, %multiple_of3A] : memref<8x1000000xf32, #tpu.memory_space<hbm>> -> memref<4x15744xf32, #tpu.memory_space<hbm>>
    %dma_wait3A_34 = arith.constant 0 : i32
    %dma_wait3A_35 = tpu.memref_slice %arg2[%dma_wait3A_34, %multiple_of3A] : memref<8x1000000xf32, #tpu.memory_space<hbm>> -> memref<4x15744xf32, #tpu.memory_space<hbm>>
    tpu.wait_dma2 semaphore(%arg13 : memref<!tpu.dma_semaphore, #tpu.memory_space<semaphore_mem>>) src(%dma_wait3A_35 : memref<4x15744xf32, #tpu.memory_space<hbm>>) dst(%arg7 : memref<4x15744xf32, #tpu.memory_space<vmem>>)
    %scan3A = arith.constant 0 : i32
    %scan3A_36 = arith.constant 246 : i32
    %scan3A_37 = arith.addi %scan3A, %scan3A_36 : i32
    %scan3A_38 = arith.constant 1 : i32
    %scan3A_39:2 = scf.for %scan3A_56 = %scan3A to %scan3A_37 step %scan3A_38 iter_args(%scan3A_57 = %broadcast_in_dim3A_30, %scan3A_58 = %broadcast_in_dim3A_32) -> (vector<16xf32>, vector<16xi32>)  : i32 {
      %mul3A_59 = arith.constant 64 : i32
      %mul3A_60 = arith.muli %scan3A_56, %mul3A_59 : i32
      %get3A_61 = arith.constant 0 : i32
      %get3A_62 = arith.index_cast %get3A_61 : i32 to index
      %get3A_63 = arith.index_cast %mul3A_60 : i32 to index
      %get3A_64 = tpu.vector_load %arg7[%get3A_62, %get3A_63] {strides = array<i32>} : memref<4x15744xf32, #tpu.memory_space<vmem>>, vector<16xf32>,
      %pack3A = tpu.pack_subelements %get3A_64, %get3A_64 {pack_format = #tpu.pack_format<interleaved>, positions = array<i32: 0, 1>} : vector<16xf32>, vector<16xf32> -> vector<32xbf16>
      %unpack3A = tpu.unpack_subelements %pack3A, 0 {pack_format = #tpu.pack_format<interleaved>} : vector<32xbf16> -> vector<16xf32>
      %unpack3A_65 = tpu.unpack_subelements %pack3A, 1 {pack_format = #tpu.pack_format<interleaved>} : vector<32xbf16> -> vector<16xf32>
      %get3A_66 = arith.constant 1 : i32
      %get3A_67 = arith.index_cast %get3A_66 : i32 to index
      %get3A_68 = arith.index_cast %mul3A_60 : i32 to index
      %get3A_69 = tpu.vector_load %arg7[%get3A_67, %get3A_68] {strides = array<i32>} : memref<4x15744xf32, #tpu.memory_space<vmem>>, vector<16xf32>,
      %pack3A_70 = tpu.pack_subelements %get3A_69, %get3A_69 {pack_format = #tpu.pack_format<interleaved>, positions = array<i32: 0, 1>} : vector<16xf32>, vector<16xf32> -> vector<32xbf16>
      %unpack3A_71 = tpu.unpack_subelements %pack3A_70, 0 {pack_format = #tpu.pack_format<interleaved>} : vector<32xbf16> -> vector<16xf32>
      %unpack3A_72 = tpu.unpack_subelements %pack3A_70, 1 {pack_format = #tpu.pack_format<interleaved>} : vector<32xbf16> -> vector<16xf32>
      %get3A_73 = arith.constant 2 : i32
      %get3A_74 = arith.index_cast %get3A_73 : i32 to index
      %get3A_75 = arith.index_cast %mul3A_60 : i32 to index
      %get3A_76 = tpu.vector_load %arg7[%get3A_74, %get3A_75] {strides = array<i32>} : memref<4x15744xf32, #tpu.memory_space<vmem>>, vector<16xf32>,
      %pack3A_77 = tpu.pack_subelements %get3A_76, %get3A_76 {pack_format = #tpu.pack_format<interleaved>, positions = array<i32: 0, 1>} : vector<16xf32>, vector<16xf32> -> vector<32xbf16>
      %unpack3A_78 = tpu.unpack_subelements %pack3A_77, 0 {pack_format = #tpu.pack_format<interleaved>} : vector<32xbf16> -> vector<16xf32>
      %unpack3A_79 = tpu.unpack_subelements %pack3A_77, 1 {pack_format = #tpu.pack_format<interleaved>} : vector<32xbf16> -> vector<16xf32>
      %get3A_80 = arith.constant 3 : i32
      %get3A_81 = arith.index_cast %get3A_80 : i32 to index
      %get3A_82 = arith.index_cast %mul3A_60 : i32 to index
      %get3A_83 = tpu.vector_load %arg7[%get3A_81, %get3A_82] {strides = array<i32>} : memref<4x15744xf32, #tpu.memory_space<vmem>>, vector<16xf32>,
      %pack3A_84 = tpu.pack_subelements %get3A_83, %get3A_83 {pack_format = #tpu.pack_format<interleaved>, positions = array<i32: 0, 1>} : vector<16xf32>, vector<16xf32> -> vector<32xbf16>
      %unpack3A_85 = tpu.unpack_subelements %pack3A_84, 0 {pack_format = #tpu.pack_format<interleaved>} : vector<32xbf16> -> vector<16xf32>
      %unpack3A_86 = tpu.unpack_subelements %pack3A_84, 1 {pack_format = #tpu.pack_format<interleaved>} : vector<32xbf16> -> vector<16xf32>
      %mul3A_87 = arith.mulf %unpack3A, %get3A_15 : vector<16xf32>
      %mul3A_88 = arith.mulf %unpack3A_71, %get3A_19 : vector<16xf32>
      %add3A_89 = arith.addf %mul3A_87, %mul3A_88 : vector<16xf32>
      %mul3A_90 = arith.mulf %unpack3A_78, %get3A_23 : vector<16xf32>
      %mul3A_91 = arith.mulf %unpack3A_85, %get3A_27 : vector<16xf32>
      %add3A_92 = arith.addf %mul3A_90, %mul3A_91 : vector<16xf32>
      %add3A_93 = arith.addf %add3A_89, %add3A_92 : vector<16xf32>
      %add3A_94 = arith.addi %multiple_of3A, %mul3A_60 : i32
      %add3A_95 = vector.broadcast %add3A_94 : i32 to vector<16xi32>
      %add3A_96 = arith.addi %add3A_95, %iota3A : vector<16xi32>
      %gt3A = arith.cmpf ogt, %add3A_93, %scan3A_57 : vector<16xf32>
      %ne3A = arith.cmpi ne, %add3A_96, %get3A_29 : vector<16xi32>
      %and3A = arith.andi %gt3A, %ne3A : vector<16xi1>
      %lt3A = arith.constant 1000000 : i32
      %lt3A_97 = vector.broadcast %lt3A : i32 to vector<16xi32>
      %lt3A_98 = arith.cmpi slt, %add3A_96, %lt3A_97 : vector<16xi32>
      %and3A_99 = arith.andi %and3A, %lt3A_98 : vector<16xi1>
      %select_n3A = arith.select %and3A_99, %add3A_93, %scan3A_57 : vector<16xi1>, vector<16xf32>
      %select_n3A_100 = arith.select %and3A_99, %add3A_96, %scan3A_58 : vector<16xi1>, vector<16xi32>
      %add3A_101 = arith.constant 16 : i32
      %add3A_102 = arith.addi %mul3A_60, %add3A_101 : i32
      %get3A_103 = arith.constant 0 : i32
      %get3A_104 = arith.index_cast %get3A_103 : i32 to index
      %get3A_105 = arith.index_cast %add3A_102 : i32 to index
      %get3A_106 = tpu.vector_load %arg7[%get3A_104, %get3A_105] {strides = array<i32>} : memref<4x15744xf32, #tpu.memory_space<vmem>>, vector<16xf32>,
      %pack3A_107 = tpu.pack_subelements %get3A_106, %get3A_106 {pack_format = #tpu.pack_format<interleaved>, positions = array<i32: 0, 1>} : vector<16xf32>, vector<16xf32> -> vector<32xbf16>
      %unpack3A_108 = tpu.unpack_subelements %pack3A_107, 0 {pack_format = #tpu.pack_format<interleaved>} : vector<32xbf16> -> vector<16xf32>
      %unpack3A_109 = tpu.unpack_subelements %pack3A_107, 1 {pack_format = #tpu.pack_format<interleaved>} : vector<32xbf16> -> vector<16xf32>
      %get3A_110 = arith.constant 1 : i32
      %get3A_111 = arith.index_cast %get3A_110 : i32 to index
      %get3A_112 = arith.index_cast %add3A_102 : i32 to index
      %get3A_113 = tpu.vector_load %arg7[%get3A_111, %get3A_112] {strides = array<i32>} : memref<4x15744xf32, #tpu.memory_space<vmem>>, vector<16xf32>,
      %pack3A_114 = tpu.pack_subelements %get3A_113, %get3A_113 {pack_format = #tpu.pack_format<interleaved>, positions = array<i32: 0, 1>} : vector<16xf32>, vector<16xf32> -> vector<32xbf16>
      %unpack3A_115 = tpu.unpack_subelements %pack3A_114, 0 {pack_format = #tpu.pack_format<interleaved>} : vector<32xbf16> -> vector<16xf32>
      %unpack3A_116 = tpu.unpack_subelements %pack3A_114, 1 {pack_format = #tpu.pack_format<interleaved>} : vector<32xbf16> -> vector<16xf32>
      %get3A_117 = arith.constant 2 : i32
      %get3A_118 = arith.index_cast %get3A_117 : i32 to index
      %get3A_119 = arith.index_cast %add3A_102 : i32 to index
      %get3A_120 = tpu.vector_load %arg7[%get3A_118, %get3A_119] {strides = array<i32>} : memref<4x15744xf32, #tpu.memory_space<vmem>>, vector<16xf32>,
      %pack3A_121 = tpu.pack_subelements %get3A_120, %get3A_120 {pack_format = #tpu.pack_format<interleaved>, positions = array<i32: 0, 1>} : vector<16xf32>, vector<16xf32> -> vector<32xbf16>
      %unpack3A_122 = tpu.unpack_subelements %pack3A_121, 0 {pack_format = #tpu.pack_format<interleaved>} : vector<32xbf16> -> vector<16xf32>
      %unpack3A_123 = tpu.unpack_subelements %pack3A_121, 1 {pack_format = #tpu.pack_format<interleaved>} : vector<32xbf16> -> vector<16xf32>
      %get3A_124 = arith.constant 3 : i32
      %get3A_125 = arith.index_cast %get3A_124 : i32 to index
      %get3A_126 = arith.index_cast %add3A_102 : i32 to index
      %get3A_127 = tpu.vector_load %arg7[%get3A_125, %get3A_126] {strides = array<i32>} : memref<4x15744xf32, #tpu.memory_space<vmem>>, vector<16xf32>,
      %pack3A_128 = tpu.pack_subelements %get3A_127, %get3A_127 {pack_format = #tpu.pack_format<interleaved>, positions = array<i32: 0, 1>} : vector<16xf32>, vector<16xf32> -> vector<32xbf16>
      %unpack3A_129 = tpu.unpack_subelements %pack3A_128, 0 {pack_format = #tpu.pack_format<interleaved>} : vector<32xbf16> -> vector<16xf32>
      %unpack3A_130 = tpu.unpack_subelements %pack3A_128, 1 {pack_format = #tpu.pack_format<interleaved>} : vector<32xbf16> -> vector<16xf32>
      %mul3A_131 = arith.mulf %unpack3A_108, %get3A_15 : vector<16xf32>
      %mul3A_132 = arith.mulf %unpack3A_115, %get3A_19 : vector<16xf32>
      %add3A_133 = arith.addf %mul3A_131, %mul3A_132 : vector<16xf32>
      %mul3A_134 = arith.mulf %unpack3A_122, %get3A_23 : vector<16xf32>
      %mul3A_135 = arith.mulf %unpack3A_129, %get3A_27 : vector<16xf32>
      %add3A_136 = arith.addf %mul3A_134, %mul3A_135 : vector<16xf32>
      %add3A_137 = arith.addf %add3A_133, %add3A_136 : vector<16xf32>
      %add3A_138 = arith.addi %multiple_of3A, %add3A_102 : i32
      %add3A_139 = vector.broadcast %add3A_138 : i32 to vector<16xi32>
      %add3A_140 = arith.addi %add3A_139, %iota3A : vector<16xi32>
      %gt3A_141 = arith.cmpf ogt, %add3A_137, %select_n3A : vector<16xf32>
      %ne3A_142 = arith.cmpi ne, %add3A_140, %get3A_29 : vector<16xi32>
      %and3A_143 = arith.andi %gt3A_141, %ne3A_142 : vector<16xi1>
      %lt3A_144 = arith.constant 1000000 : i32
      %lt3A_145 = vector.broadcast %lt3A_144 : i32 to vector<16xi32>
      %lt3A_146 = arith.cmpi slt, %add3A_140, %lt3A_145 : vector<16xi32>
      %and3A_147 = arith.andi %and3A_143, %lt3A_146 : vector<16xi1>
      %select_n3A_148 = arith.select %and3A_147, %add3A_137, %select_n3A : vector<16xi1>, vector<16xf32>
      %select_n3A_149 = arith.select %and3A_147, %add3A_140, %select_n3A_100 : vector<16xi1>, vector<16xi32>
      %add3A_150 = arith.constant 32 : i32
      %add3A_151 = arith.addi %mul3A_60, %add3A_150 : i32
      %get3A_152 = arith.constant 0 : i32
      %get3A_153 = arith.index_cast %get3A_152 : i32 to index
      %get3A_154 = arith.index_cast %add3A_151 : i32 to index
      %get3A_155 = tpu.vector_load %arg7[%get3A_153, %get3A_154] {strides = array<i32>} : memref<4x15744xf32, #tpu.memory_space<vmem>>, vector<16xf32>,
      %pack3A_156 = tpu.pack_subelements %get3A_155, %get3A_155 {pack_format = #tpu.pack_format<interleaved>, positions = array<i32: 0, 1>} : vector<16xf32>, vector<16xf32> -> vector<32xbf16>
      %unpack3A_157 = tpu.unpack_subelements %pack3A_156, 0 {pack_format = #tpu.pack_format<interleaved>} : vector<32xbf16> -> vector<16xf32>
      %unpack3A_158 = tpu.unpack_subelements %pack3A_156, 1 {pack_format = #tpu.pack_format<interleaved>} : vector<32xbf16> -> vector<16xf32>
      %get3A_159 = arith.constant 1 : i32
      %get3A_160 = arith.index_cast %get3A_159 : i32 to index
      %get3A_161 = arith.index_cast %add3A_151 : i32 to index
      %get3A_162 = tpu.vector_load %arg7[%get3A_160, %get3A_161] {strides = array<i32>} : memref<4x15744xf32, #tpu.memory_space<vmem>>, vector<16xf32>,
      %pack3A_163 = tpu.pack_subelements %get3A_162, %get3A_162 {pack_format = #tpu.pack_format<interleaved>, positions = array<i32: 0, 1>} : vector<16xf32>, vector<16xf32> -> vector<32xbf16>
      %unpack3A_164 = tpu.unpack_subelements %pack3A_163, 0 {pack_format = #tpu.pack_format<interleaved>} : vector<32xbf16> -> vector<16xf32>
      %unpack3A_165 = tpu.unpack_subelements %pack3A_163, 1 {pack_format = #tpu.pack_format<interleaved>} : vector<32xbf16> -> vector<16xf32>
      %get3A_166 = arith.constant 2 : i32
      %get3A_167 = arith.index_cast %get3A_166 : i32 to index
      %get3A_168 = arith.index_cast %add3A_151 : i32 to index
      %get3A_169 = tpu.vector_load %arg7[%get3A_167, %get3A_168] {strides = array<i32>} : memref<4x15744xf32, #tpu.memory_space<vmem>>, vector<16xf32>,
      %pack3A_170 = tpu.pack_subelements %get3A_169, %get3A_169 {pack_format = #tpu.pack_format<interleaved>, positions = array<i32: 0, 1>} : vector<16xf32>, vector<16xf32> -> vector<32xbf16>
      %unpack3A_171 = tpu.unpack_subelements %pack3A_170, 0 {pack_format = #tpu.pack_format<interleaved>} : vector<32xbf16> -> vector<16xf32>
      %unpack3A_172 = tpu.unpack_subelements %pack3A_170, 1 {pack_format = #tpu.pack_format<interleaved>} : vector<32xbf16> -> vector<16xf32>
      %get3A_173 = arith.constant 3 : i32
      %get3A_174 = arith.index_cast %get3A_173 : i32 to index
      %get3A_175 = arith.index_cast %add3A_151 : i32 to index
      %get3A_176 = tpu.vector_load %arg7[%get3A_174, %get3A_175] {strides = array<i32>} : memref<4x15744xf32, #tpu.memory_space<vmem>>, vector<16xf32>,
      %pack3A_177 = tpu.pack_subelements %get3A_176, %get3A_176 {pack_format = #tpu.pack_format<interleaved>, positions = array<i32: 0, 1>} : vector<16xf32>, vector<16xf32> -> vector<32xbf16>
      %unpack3A_178 = tpu.unpack_subelements %pack3A_177, 0 {pack_format = #tpu.pack_format<interleaved>} : vector<32xbf16> -> vector<16xf32>
      %unpack3A_179 = tpu.unpack_subelements %pack3A_177, 1 {pack_format = #tpu.pack_format<interleaved>} : vector<32xbf16> -> vector<16xf32>
      %mul3A_180 = arith.mulf %unpack3A_157, %get3A_15 : vector<16xf32>
      %mul3A_181 = arith.mulf %unpack3A_164, %get3A_19 : vector<16xf32>
      %add3A_182 = arith.addf %mul3A_180, %mul3A_181 : vector<16xf32>
      %mul3A_183 = arith.mulf %unpack3A_171, %get3A_23 : vector<16xf32>
      %mul3A_184 = arith.mulf %unpack3A_178, %get3A_27 : vector<16xf32>
      %add3A_185 = arith.addf %mul3A_183, %mul3A_184 : vector<16xf32>
      %add3A_186 = arith.addf %add3A_182, %add3A_185 : vector<16xf32>
      %add3A_187 = arith.addi %multiple_of3A, %add3A_151 : i32
      %add3A_188 = vector.broadcast %add3A_187 : i32 to vector<16xi32>
      %add3A_189 = arith.addi %add3A_188, %iota3A : vector<16xi32>
      %gt3A_190 = arith.cmpf ogt, %add3A_186, %select_n3A_148 : vector<16xf32>
      %ne3A_191 = arith.cmpi ne, %add3A_189, %get3A_29 : vector<16xi32>
      %and3A_192 = arith.andi %gt3A_190, %ne3A_191 : vector<16xi1>
      %lt3A_193 = arith.constant 1000000 : i32
      %lt3A_194 = vector.broadcast %lt3A_193 : i32 to vector<16xi32>
      %lt3A_195 = arith.cmpi slt, %add3A_189, %lt3A_194 : vector<16xi32>
      %and3A_196 = arith.andi %and3A_192, %lt3A_195 : vector<16xi1>
      %select_n3A_197 = arith.select %and3A_196, %add3A_186, %select_n3A_148 : vector<16xi1>, vector<16xf32>
      %select_n3A_198 = arith.select %and3A_196, %add3A_189, %select_n3A_149 : vector<16xi1>, vector<16xi32>
      %add3A_199 = arith.constant 48 : i32
      %add3A_200 = arith.addi %mul3A_60, %add3A_199 : i32
      %get3A_201 = arith.constant 0 : i32
      %get3A_202 = arith.index_cast %get3A_201 : i32 to index
      %get3A_203 = arith.index_cast %add3A_200 : i32 to index
      %get3A_204 = tpu.vector_load %arg7[%get3A_202, %get3A_203] {strides = array<i32>} : memref<4x15744xf32, #tpu.memory_space<vmem>>, vector<16xf32>,
      %pack3A_205 = tpu.pack_subelements %get3A_204, %get3A_204 {pack_format = #tpu.pack_format<interleaved>, positions = array<i32: 0, 1>} : vector<16xf32>, vector<16xf32> -> vector<32xbf16>
      %unpack3A_206 = tpu.unpack_subelements %pack3A_205, 0 {pack_format = #tpu.pack_format<interleaved>} : vector<32xbf16> -> vector<16xf32>
      %unpack3A_207 = tpu.unpack_subelements %pack3A_205, 1 {pack_format = #tpu.pack_format<interleaved>} : vector<32xbf16> -> vector<16xf32>
      %get3A_208 = arith.constant 1 : i32
      %get3A_209 = arith.index_cast %get3A_208 : i32 to index
      %get3A_210 = arith.index_cast %add3A_200 : i32 to index
      %get3A_211 = tpu.vector_load %arg7[%get3A_209, %get3A_210] {strides = array<i32>} : memref<4x15744xf32, #tpu.memory_space<vmem>>, vector<16xf32>,
      %pack3A_212 = tpu.pack_subelements %get3A_211, %get3A_211 {pack_format = #tpu.pack_format<interleaved>, positions = array<i32: 0, 1>} : vector<16xf32>, vector<16xf32> -> vector<32xbf16>
      %unpack3A_213 = tpu.unpack_subelements %pack3A_212, 0 {pack_format = #tpu.pack_format<interleaved>} : vector<32xbf16> -> vector<16xf32>
      %unpack3A_214 = tpu.unpack_subelements %pack3A_212, 1 {pack_format = #tpu.pack_format<interleaved>} : vector<32xbf16> -> vector<16xf32>
      %get3A_215 = arith.constant 2 : i32
      %get3A_216 = arith.index_cast %get3A_215 : i32 to index
      %get3A_217 = arith.index_cast %add3A_200 : i32 to index
      %get3A_218 = tpu.vector_load %arg7[%get3A_216, %get3A_217] {strides = array<i32>} : memref<4x15744xf32, #tpu.memory_space<vmem>>, vector<16xf32>,
      %pack3A_219 = tpu.pack_subelements %get3A_218, %get3A_218 {pack_format = #tpu.pack_format<interleaved>, positions = array<i32: 0, 1>} : vector<16xf32>, vector<16xf32> -> vector<32xbf16>
      %unpack3A_220 = tpu.unpack_subelements %pack3A_219, 0 {pack_format = #tpu.pack_format<interleaved>} : vector<32xbf16> -> vector<16xf32>
      %unpack3A_221 = tpu.unpack_subelements %pack3A_219, 1 {pack_format = #tpu.pack_format<interleaved>} : vector<32xbf16> -> vector<16xf32>
      %get3A_222 = arith.constant 3 : i32
      %get3A_223 = arith.index_cast %get3A_222 : i32 to index
      %get3A_224 = arith.index_cast %add3A_200 : i32 to index
      %get3A_225 = tpu.vector_load %arg7[%get3A_223, %get3A_224] {strides = array<i32>} : memref<4x15744xf32, #tpu.memory_space<vmem>>, vector<16xf32>,
      %pack3A_226 = tpu.pack_subelements %get3A_225, %get3A_225 {pack_format = #tpu.pack_format<interleaved>, positions = array<i32: 0, 1>} : vector<16xf32>, vector<16xf32> -> vector<32xbf16>
      %unpack3A_227 = tpu.unpack_subelements %pack3A_226, 0 {pack_format = #tpu.pack_format<interleaved>} : vector<32xbf16> -> vector<16xf32>
      %unpack3A_228 = tpu.unpack_subelements %pack3A_226, 1 {pack_format = #tpu.pack_format<interleaved>} : vector<32xbf16> -> vector<16xf32>
      %mul3A_229 = arith.mulf %unpack3A_206, %get3A_15 : vector<16xf32>
      %mul3A_230 = arith.mulf %unpack3A_213, %get3A_19 : vector<16xf32>
      %add3A_231 = arith.addf %mul3A_229, %mul3A_230 : vector<16xf32>
      %mul3A_232 = arith.mulf %unpack3A_220, %get3A_23 : vector<16xf32>
      %mul3A_233 = arith.mulf %unpack3A_227, %get3A_27 : vector<16xf32>
      %add3A_234 = arith.addf %mul3A_232, %mul3A_233 : vector<16xf32>
      %add3A_235 = arith.addf %add3A_231, %add3A_234 : vector<16xf32>
      %add3A_236 = arith.addi %multiple_of3A, %add3A_200 : i32
      %add3A_237 = vector.broadcast %add3A_236 : i32 to vector<16xi32>
      %add3A_238 = arith.addi %add3A_237, %iota3A : vector<16xi32>
      %gt3A_239 = arith.cmpf ogt, %add3A_235, %select_n3A_197 : vector<16xf32>
      %ne3A_240 = arith.cmpi ne, %add3A_238, %get3A_29 : vector<16xi32>
      %and3A_241 = arith.andi %gt3A_239, %ne3A_240 : vector<16xi1>
      %lt3A_242 = arith.constant 1000000 : i32
      %lt3A_243 = vector.broadcast %lt3A_242 : i32 to vector<16xi32>
      %lt3A_244 = arith.cmpi slt, %add3A_238, %lt3A_243 : vector<16xi32>
      %and3A_245 = arith.andi %and3A_241, %lt3A_244 : vector<16xi1>
      %select_n3A_246 = arith.select %and3A_245, %add3A_235, %select_n3A_197 : vector<16xi1>, vector<16xf32>
      %select_n3A_247 = arith.select %and3A_245, %add3A_238, %select_n3A_198 : vector<16xi1>, vector<16xi32>
      scf.yield %select_n3A_246, %select_n3A_247 : vector<16xf32>, vector<16xi32>
    }
    %scan3A_40 = arith.constant 246 : i32
    %dma_wait3A_41 = arith.constant 0 : i32
    %dma_wait3A_42 = tpu.memref_slice %arg2[%dma_wait3A_41, %add3A_5] : memref<8x1000000xf32, #tpu.memory_space<hbm>> -> memref<4x15744xf32, #tpu.memory_space<hbm>>
    %dma_wait3A_43 = arith.constant 0 : i32
    %dma_wait3A_44 = tpu.memref_slice %arg2[%dma_wait3A_43, %add3A_5] : memref<8x1000000xf32, #tpu.memory_space<hbm>> -> memref<4x15744xf32, #tpu.memory_space<hbm>>
    tpu.wait_dma2 semaphore(%arg14 : memref<!tpu.dma_semaphore, #tpu.memory_space<semaphore_mem>>) src(%dma_wait3A_44 : memref<4x15744xf32, #tpu.memory_space<hbm>>) dst(%arg8 : memref<4x15744xf32, #tpu.memory_space<vmem>>)
    %add3A_45 = arith.constant 15744 : i32
    %add3A_46 = arith.addi %multiple_of3A, %add3A_45 : i32
    %scan3A_47 = arith.constant 0 : i32
    %scan3A_48 = arith.constant 246 : i32
    %scan3A_49 = arith.addi %scan3A_47, %scan3A_48 : i32
    %scan3A_50 = arith.constant 1 : i32
    %scan3A_51:2 = scf.for %scan3A_56 = %scan3A_47 to %scan3A_49 step %scan3A_50 iter_args(%scan3A_57 = %scan3A_39#0, %scan3A_58 = %scan3A_39#1) -> (vector<16xf32>, vector<16xi32>)  : i32 {
      %mul3A_59 = arith.constant 64 : i32
      %mul3A_60 = arith.muli %scan3A_56, %mul3A_59 : i32
      %get3A_61 = arith.constant 0 : i32
      %get3A_62 = arith.index_cast %get3A_61 : i32 to index
      %get3A_63 = arith.index_cast %mul3A_60 : i32 to index
      %get3A_64 = tpu.vector_load %arg8[%get3A_62, %get3A_63] {strides = array<i32>} : memref<4x15744xf32, #tpu.memory_space<vmem>>, vector<16xf32>,
      %pack3A = tpu.pack_subelements %get3A_64, %get3A_64 {pack_format = #tpu.pack_format<interleaved>, positions = array<i32: 0, 1>} : vector<16xf32>, vector<16xf32> -> vector<32xbf16>
      %unpack3A = tpu.unpack_subelements %pack3A, 0 {pack_format = #tpu.pack_format<interleaved>} : vector<32xbf16> -> vector<16xf32>
      %unpack3A_65 = tpu.unpack_subelements %pack3A, 1 {pack_format = #tpu.pack_format<interleaved>} : vector<32xbf16> -> vector<16xf32>
      %get3A_66 = arith.constant 1 : i32
      %get3A_67 = arith.index_cast %get3A_66 : i32 to index
      %get3A_68 = arith.index_cast %mul3A_60 : i32 to index
      %get3A_69 = tpu.vector_load %arg8[%get3A_67, %get3A_68] {strides = array<i32>} : memref<4x15744xf32, #tpu.memory_space<vmem>>, vector<16xf32>,
      %pack3A_70 = tpu.pack_subelements %get3A_69, %get3A_69 {pack_format = #tpu.pack_format<interleaved>, positions = array<i32: 0, 1>} : vector<16xf32>, vector<16xf32> -> vector<32xbf16>
      %unpack3A_71 = tpu.unpack_subelements %pack3A_70, 0 {pack_format = #tpu.pack_format<interleaved>} : vector<32xbf16> -> vector<16xf32>
      %unpack3A_72 = tpu.unpack_subelements %pack3A_70, 1 {pack_format = #tpu.pack_format<interleaved>} : vector<32xbf16> -> vector<16xf32>
      %get3A_73 = arith.constant 2 : i32
      %get3A_74 = arith.index_cast %get3A_73 : i32 to index
      %get3A_75 = arith.index_cast %mul3A_60 : i32 to index
      %get3A_76 = tpu.vector_load %arg8[%get3A_74, %get3A_75] {strides = array<i32>} : memref<4x15744xf32, #tpu.memory_space<vmem>>, vector<16xf32>,
      %pack3A_77 = tpu.pack_subelements %get3A_76, %get3A_76 {pack_format = #tpu.pack_format<interleaved>, positions = array<i32: 0, 1>} : vector<16xf32>, vector<16xf32> -> vector<32xbf16>
      %unpack3A_78 = tpu.unpack_subelements %pack3A_77, 0 {pack_format = #tpu.pack_format<interleaved>} : vector<32xbf16> -> vector<16xf32>
      %unpack3A_79 = tpu.unpack_subelements %pack3A_77, 1 {pack_format = #tpu.pack_format<interleaved>} : vector<32xbf16> -> vector<16xf32>
      %get3A_80 = arith.constant 3 : i32
      %get3A_81 = arith.index_cast %get3A_80 : i32 to index
      %get3A_82 = arith.index_cast %mul3A_60 : i32 to index
      %get3A_83 = tpu.vector_load %arg8[%get3A_81, %get3A_82] {strides = array<i32>} : memref<4x15744xf32, #tpu.memory_space<vmem>>, vector<16xf32>,
      %pack3A_84 = tpu.pack_subelements %get3A_83, %get3A_83 {pack_format = #tpu.pack_format<interleaved>, positions = array<i32: 0, 1>} : vector<16xf32>, vector<16xf32> -> vector<32xbf16>
      %unpack3A_85 = tpu.unpack_subelements %pack3A_84, 0 {pack_format = #tpu.pack_format<interleaved>} : vector<32xbf16> -> vector<16xf32>
      %unpack3A_86 = tpu.unpack_subelements %pack3A_84, 1 {pack_format = #tpu.pack_format<interleaved>} : vector<32xbf16> -> vector<16xf32>
      %mul3A_87 = arith.mulf %unpack3A, %get3A_15 : vector<16xf32>
      %mul3A_88 = arith.mulf %unpack3A_71, %get3A_19 : vector<16xf32>
      %add3A_89 = arith.addf %mul3A_87, %mul3A_88 : vector<16xf32>
      %mul3A_90 = arith.mulf %unpack3A_78, %get3A_23 : vector<16xf32>
      %mul3A_91 = arith.mulf %unpack3A_85, %get3A_27 : vector<16xf32>
      %add3A_92 = arith.addf %mul3A_90, %mul3A_91 : vector<16xf32>
      %add3A_93 = arith.addf %add3A_89, %add3A_92 : vector<16xf32>
      %add3A_94 = arith.addi %add3A_46, %mul3A_60 : i32
      %add3A_95 = vector.broadcast %add3A_94 : i32 to vector<16xi32>
      %add3A_96 = arith.addi %add3A_95, %iota3A : vector<16xi32>
      %gt3A = arith.cmpf ogt, %add3A_93, %scan3A_57 : vector<16xf32>
      %ne3A = arith.cmpi ne, %add3A_96, %get3A_29 : vector<16xi32>
      %and3A = arith.andi %gt3A, %ne3A : vector<16xi1>
      %lt3A = arith.constant 1000000 : i32
      %lt3A_97 = vector.broadcast %lt3A : i32 to vector<16xi32>
      %lt3A_98 = arith.cmpi slt, %add3A_96, %lt3A_97 : vector<16xi32>
      %and3A_99 = arith.andi %and3A, %lt3A_98 : vector<16xi1>
      %select_n3A = arith.select %and3A_99, %add3A_93, %scan3A_57 : vector<16xi1>, vector<16xf32>
      %select_n3A_100 = arith.select %and3A_99, %add3A_96, %scan3A_58 : vector<16xi1>, vector<16xi32>
      %add3A_101 = arith.constant 16 : i32
      %add3A_102 = arith.addi %mul3A_60, %add3A_101 : i32
      %get3A_103 = arith.constant 0 : i32
      %get3A_104 = arith.index_cast %get3A_103 : i32 to index
      %get3A_105 = arith.index_cast %add3A_102 : i32 to index
      %get3A_106 = tpu.vector_load %arg8[%get3A_104, %get3A_105] {strides = array<i32>} : memref<4x15744xf32, #tpu.memory_space<vmem>>, vector<16xf32>,
      %pack3A_107 = tpu.pack_subelements %get3A_106, %get3A_106 {pack_format = #tpu.pack_format<interleaved>, positions = array<i32: 0, 1>} : vector<16xf32>, vector<16xf32> -> vector<32xbf16>
      %unpack3A_108 = tpu.unpack_subelements %pack3A_107, 0 {pack_format = #tpu.pack_format<interleaved>} : vector<32xbf16> -> vector<16xf32>
      %unpack3A_109 = tpu.unpack_subelements %pack3A_107, 1 {pack_format = #tpu.pack_format<interleaved>} : vector<32xbf16> -> vector<16xf32>
      %get3A_110 = arith.constant 1 : i32
      %get3A_111 = arith.index_cast %get3A_110 : i32 to index
      %get3A_112 = arith.index_cast %add3A_102 : i32 to index
      %get3A_113 = tpu.vector_load %arg8[%get3A_111, %get3A_112] {strides = array<i32>} : memref<4x15744xf32, #tpu.memory_space<vmem>>, vector<16xf32>,
      %pack3A_114 = tpu.pack_subelements %get3A_113, %get3A_113 {pack_format = #tpu.pack_format<interleaved>, positions = array<i32: 0, 1>} : vector<16xf32>, vector<16xf32> -> vector<32xbf16>
      %unpack3A_115 = tpu.unpack_subelements %pack3A_114, 0 {pack_format = #tpu.pack_format<interleaved>} : vector<32xbf16> -> vector<16xf32>
      %unpack3A_116 = tpu.unpack_subelements %pack3A_114, 1 {pack_format = #tpu.pack_format<interleaved>} : vector<32xbf16> -> vector<16xf32>
      %get3A_117 = arith.constant 2 : i32
      %get3A_118 = arith.index_cast %get3A_117 : i32 to index
      %get3A_119 = arith.index_cast %add3A_102 : i32 to index
      %get3A_120 = tpu.vector_load %arg8[%get3A_118, %get3A_119] {strides = array<i32>} : memref<4x15744xf32, #tpu.memory_space<vmem>>, vector<16xf32>,
      %pack3A_121 = tpu.pack_subelements %get3A_120, %get3A_120 {pack_format = #tpu.pack_format<interleaved>, positions = array<i32: 0, 1>} : vector<16xf32>, vector<16xf32> -> vector<32xbf16>
      %unpack3A_122 = tpu.unpack_subelements %pack3A_121, 0 {pack_format = #tpu.pack_format<interleaved>} : vector<32xbf16> -> vector<16xf32>
      %unpack3A_123 = tpu.unpack_subelements %pack3A_121, 1 {pack_format = #tpu.pack_format<interleaved>} : vector<32xbf16> -> vector<16xf32>
      %get3A_124 = arith.constant 3 : i32
      %get3A_125 = arith.index_cast %get3A_124 : i32 to index
      %get3A_126 = arith.index_cast %add3A_102 : i32 to index
      %get3A_127 = tpu.vector_load %arg8[%get3A_125, %get3A_126] {strides = array<i32>} : memref<4x15744xf32, #tpu.memory_space<vmem>>, vector<16xf32>,
      %pack3A_128 = tpu.pack_subelements %get3A_127, %get3A_127 {pack_format = #tpu.pack_format<interleaved>, positions = array<i32: 0, 1>} : vector<16xf32>, vector<16xf32> -> vector<32xbf16>
      %unpack3A_129 = tpu.unpack_subelements %pack3A_128, 0 {pack_format = #tpu.pack_format<interleaved>} : vector<32xbf16> -> vector<16xf32>
      %unpack3A_130 = tpu.unpack_subelements %pack3A_128, 1 {pack_format = #tpu.pack_format<interleaved>} : vector<32xbf16> -> vector<16xf32>
      %mul3A_131 = arith.mulf %unpack3A_108, %get3A_15 : vector<16xf32>
      %mul3A_132 = arith.mulf %unpack3A_115, %get3A_19 : vector<16xf32>
      %add3A_133 = arith.addf %mul3A_131, %mul3A_132 : vector<16xf32>
      %mul3A_134 = arith.mulf %unpack3A_122, %get3A_23 : vector<16xf32>
      %mul3A_135 = arith.mulf %unpack3A_129, %get3A_27 : vector<16xf32>
      %add3A_136 = arith.addf %mul3A_134, %mul3A_135 : vector<16xf32>
      %add3A_137 = arith.addf %add3A_133, %add3A_136 : vector<16xf32>
      %add3A_138 = arith.addi %add3A_46, %add3A_102 : i32
      %add3A_139 = vector.broadcast %add3A_138 : i32 to vector<16xi32>
      %add3A_140 = arith.addi %add3A_139, %iota3A : vector<16xi32>
      %gt3A_141 = arith.cmpf ogt, %add3A_137, %select_n3A : vector<16xf32>
      %ne3A_142 = arith.cmpi ne, %add3A_140, %get3A_29 : vector<16xi32>
      %and3A_143 = arith.andi %gt3A_141, %ne3A_142 : vector<16xi1>
      %lt3A_144 = arith.constant 1000000 : i32
      %lt3A_145 = vector.broadcast %lt3A_144 : i32 to vector<16xi32>
      %lt3A_146 = arith.cmpi slt, %add3A_140, %lt3A_145 : vector<16xi32>
      %and3A_147 = arith.andi %and3A_143, %lt3A_146 : vector<16xi1>
      %select_n3A_148 = arith.select %and3A_147, %add3A_137, %select_n3A : vector<16xi1>, vector<16xf32>
      %select_n3A_149 = arith.select %and3A_147, %add3A_140, %select_n3A_100 : vector<16xi1>, vector<16xi32>
      %add3A_150 = arith.constant 32 : i32
      %add3A_151 = arith.addi %mul3A_60, %add3A_150 : i32
      %get3A_152 = arith.constant 0 : i32
      %get3A_153 = arith.index_cast %get3A_152 : i32 to index
      %get3A_154 = arith.index_cast %add3A_151 : i32 to index
      %get3A_155 = tpu.vector_load %arg8[%get3A_153, %get3A_154] {strides = array<i32>} : memref<4x15744xf32, #tpu.memory_space<vmem>>, vector<16xf32>,
      %pack3A_156 = tpu.pack_subelements %get3A_155, %get3A_155 {pack_format = #tpu.pack_format<interleaved>, positions = array<i32: 0, 1>} : vector<16xf32>, vector<16xf32> -> vector<32xbf16>
      %unpack3A_157 = tpu.unpack_subelements %pack3A_156, 0 {pack_format = #tpu.pack_format<interleaved>} : vector<32xbf16> -> vector<16xf32>
      %unpack3A_158 = tpu.unpack_subelements %pack3A_156, 1 {pack_format = #tpu.pack_format<interleaved>} : vector<32xbf16> -> vector<16xf32>
      %get3A_159 = arith.constant 1 : i32
      %get3A_160 = arith.index_cast %get3A_159 : i32 to index
      %get3A_161 = arith.index_cast %add3A_151 : i32 to index
      %get3A_162 = tpu.vector_load %arg8[%get3A_160, %get3A_161] {strides = array<i32>} : memref<4x15744xf32, #tpu.memory_space<vmem>>, vector<16xf32>,
      %pack3A_163 = tpu.pack_subelements %get3A_162, %get3A_162 {pack_format = #tpu.pack_format<interleaved>, positions = array<i32: 0, 1>} : vector<16xf32>, vector<16xf32> -> vector<32xbf16>
      %unpack3A_164 = tpu.unpack_subelements %pack3A_163, 0 {pack_format = #tpu.pack_format<interleaved>} : vector<32xbf16> -> vector<16xf32>
      %unpack3A_165 = tpu.unpack_subelements %pack3A_163, 1 {pack_format = #tpu.pack_format<interleaved>} : vector<32xbf16> -> vector<16xf32>
      %get3A_166 = arith.constant 2 : i32
      %get3A_167 = arith.index_cast %get3A_166 : i32 to index
      %get3A_168 = arith.index_cast %add3A_151 : i32 to index
      %get3A_169 = tpu.vector_load %arg8[%get3A_167, %get3A_168] {strides = array<i32>} : memref<4x15744xf32, #tpu.memory_space<vmem>>, vector<16xf32>,
      %pack3A_170 = tpu.pack_subelements %get3A_169, %get3A_169 {pack_format = #tpu.pack_format<interleaved>, positions = array<i32: 0, 1>} : vector<16xf32>, vector<16xf32> -> vector<32xbf16>
      %unpack3A_171 = tpu.unpack_subelements %pack3A_170, 0 {pack_format = #tpu.pack_format<interleaved>} : vector<32xbf16> -> vector<16xf32>
      %unpack3A_172 = tpu.unpack_subelements %pack3A_170, 1 {pack_format = #tpu.pack_format<interleaved>} : vector<32xbf16> -> vector<16xf32>
      %get3A_173 = arith.constant 3 : i32
      %get3A_174 = arith.index_cast %get3A_173 : i32 to index
      %get3A_175 = arith.index_cast %add3A_151 : i32 to index
      %get3A_176 = tpu.vector_load %arg8[%get3A_174, %get3A_175] {strides = array<i32>} : memref<4x15744xf32, #tpu.memory_space<vmem>>, vector<16xf32>,
      %pack3A_177 = tpu.pack_subelements %get3A_176, %get3A_176 {pack_format = #tpu.pack_format<interleaved>, positions = array<i32: 0, 1>} : vector<16xf32>, vector<16xf32> -> vector<32xbf16>
      %unpack3A_178 = tpu.unpack_subelements %pack3A_177, 0 {pack_format = #tpu.pack_format<interleaved>} : vector<32xbf16> -> vector<16xf32>
      %unpack3A_179 = tpu.unpack_subelements %pack3A_177, 1 {pack_format = #tpu.pack_format<interleaved>} : vector<32xbf16> -> vector<16xf32>
      %mul3A_180 = arith.mulf %unpack3A_157, %get3A_15 : vector<16xf32>
      %mul3A_181 = arith.mulf %unpack3A_164, %get3A_19 : vector<16xf32>
      %add3A_182 = arith.addf %mul3A_180, %mul3A_181 : vector<16xf32>
      %mul3A_183 = arith.mulf %unpack3A_171, %get3A_23 : vector<16xf32>
      %mul3A_184 = arith.mulf %unpack3A_178, %get3A_27 : vector<16xf32>
      %add3A_185 = arith.addf %mul3A_183, %mul3A_184 : vector<16xf32>
      %add3A_186 = arith.addf %add3A_182, %add3A_185 : vector<16xf32>
      %add3A_187 = arith.addi %add3A_46, %add3A_151 : i32
      %add3A_188 = vector.broadcast %add3A_187 : i32 to vector<16xi32>
      %add3A_189 = arith.addi %add3A_188, %iota3A : vector<16xi32>
      %gt3A_190 = arith.cmpf ogt, %add3A_186, %select_n3A_148 : vector<16xf32>
      %ne3A_191 = arith.cmpi ne, %add3A_189, %get3A_29 : vector<16xi32>
      %and3A_192 = arith.andi %gt3A_190, %ne3A_191 : vector<16xi1>
      %lt3A_193 = arith.constant 1000000 : i32
      %lt3A_194 = vector.broadcast %lt3A_193 : i32 to vector<16xi32>
      %lt3A_195 = arith.cmpi slt, %add3A_189, %lt3A_194 : vector<16xi32>
      %and3A_196 = arith.andi %and3A_192, %lt3A_195 : vector<16xi1>
      %select_n3A_197 = arith.select %and3A_196, %add3A_186, %select_n3A_148 : vector<16xi1>, vector<16xf32>
      %select_n3A_198 = arith.select %and3A_196, %add3A_189, %select_n3A_149 : vector<16xi1>, vector<16xi32>
      %add3A_199 = arith.constant 48 : i32
      %add3A_200 = arith.addi %mul3A_60, %add3A_199 : i32
      %get3A_201 = arith.constant 0 : i32
      %get3A_202 = arith.index_cast %get3A_201 : i32 to index
      %get3A_203 = arith.index_cast %add3A_200 : i32 to index
      %get3A_204 = tpu.vector_load %arg8[%get3A_202, %get3A_203] {strides = array<i32>} : memref<4x15744xf32, #tpu.memory_space<vmem>>, vector<16xf32>,
      %pack3A_205 = tpu.pack_subelements %get3A_204, %get3A_204 {pack_format = #tpu.pack_format<interleaved>, positions = array<i32: 0, 1>} : vector<16xf32>, vector<16xf32> -> vector<32xbf16>
      %unpack3A_206 = tpu.unpack_subelements %pack3A_205, 0 {pack_format = #tpu.pack_format<interleaved>} : vector<32xbf16> -> vector<16xf32>
      %unpack3A_207 = tpu.unpack_subelements %pack3A_205, 1 {pack_format = #tpu.pack_format<interleaved>} : vector<32xbf16> -> vector<16xf32>
      %get3A_208 = arith.constant 1 : i32
      %get3A_209 = arith.index_cast %get3A_208 : i32 to index
      %get3A_210 = arith.index_cast %add3A_200 : i32 to index
      %get3A_211 = tpu.vector_load %arg8[%get3A_209, %get3A_210] {strides = array<i32>} : memref<4x15744xf32, #tpu.memory_space<vmem>>, vector<16xf32>,
      %pack3A_212 = tpu.pack_subelements %get3A_211, %get3A_211 {pack_format = #tpu.pack_format<interleaved>, positions = array<i32: 0, 1>} : vector<16xf32>, vector<16xf32> -> vector<32xbf16>
      %unpack3A_213 = tpu.unpack_subelements %pack3A_212, 0 {pack_format = #tpu.pack_format<interleaved>} : vector<32xbf16> -> vector<16xf32>
      %unpack3A_214 = tpu.unpack_subelements %pack3A_212, 1 {pack_format = #tpu.pack_format<interleaved>} : vector<32xbf16> -> vector<16xf32>
      %get3A_215 = arith.constant 2 : i32
      %get3A_216 = arith.index_cast %get3A_215 : i32 to index
      %get3A_217 = arith.index_cast %add3A_200 : i32 to index
      %get3A_218 = tpu.vector_load %arg8[%get3A_216, %get3A_217] {strides = array<i32>} : memref<4x15744xf32, #tpu.memory_space<vmem>>, vector<16xf32>,
      %pack3A_219 = tpu.pack_subelements %get3A_218, %get3A_218 {pack_format = #tpu.pack_format<interleaved>, positions = array<i32: 0, 1>} : vector<16xf32>, vector<16xf32> -> vector<32xbf16>
      %unpack3A_220 = tpu.unpack_subelements %pack3A_219, 0 {pack_format = #tpu.pack_format<interleaved>} : vector<32xbf16> -> vector<16xf32>
      %unpack3A_221 = tpu.unpack_subelements %pack3A_219, 1 {pack_format = #tpu.pack_format<interleaved>} : vector<32xbf16> -> vector<16xf32>
      %get3A_222 = arith.constant 3 : i32
      %get3A_223 = arith.index_cast %get3A_222 : i32 to index
      %get3A_224 = arith.index_cast %add3A_200 : i32 to index
      %get3A_225 = tpu.vector_load %arg8[%get3A_223, %get3A_224] {strides = array<i32>} : memref<4x15744xf32, #tpu.memory_space<vmem>>, vector<16xf32>,
      %pack3A_226 = tpu.pack_subelements %get3A_225, %get3A_225 {pack_format = #tpu.pack_format<interleaved>, positions = array<i32: 0, 1>} : vector<16xf32>, vector<16xf32> -> vector<32xbf16>
      %unpack3A_227 = tpu.unpack_subelements %pack3A_226, 0 {pack_format = #tpu.pack_format<interleaved>} : vector<32xbf16> -> vector<16xf32>
      %unpack3A_228 = tpu.unpack_subelements %pack3A_226, 1 {pack_format = #tpu.pack_format<interleaved>} : vector<32xbf16> -> vector<16xf32>
      %mul3A_229 = arith.mulf %unpack3A_206, %get3A_15 : vector<16xf32>
      %mul3A_230 = arith.mulf %unpack3A_213, %get3A_19 : vector<16xf32>
      %add3A_231 = arith.addf %mul3A_229, %mul3A_230 : vector<16xf32>
      %mul3A_232 = arith.mulf %unpack3A_220, %get3A_23 : vector<16xf32>
      %mul3A_233 = arith.mulf %unpack3A_227, %get3A_27 : vector<16xf32>
      %add3A_234 = arith.addf %mul3A_232, %mul3A_233 : vector<16xf32>
      %add3A_235 = arith.addf %add3A_231, %add3A_234 : vector<16xf32>
      %add3A_236 = arith.addi %add3A_46, %add3A_200 : i32
      %add3A_237 = vector.broadcast %add3A_236 : i32 to vector<16xi32>
      %add3A_238 = arith.addi %add3A_237, %iota3A : vector<16xi32>
      %gt3A_239 = arith.cmpf ogt, %add3A_235, %select_n3A_197 : vector<16xf32>
      %ne3A_240 = arith.cmpi ne, %add3A_238, %get3A_29 : vector<16xi32>
      %and3A_241 = arith.andi %gt3A_239, %ne3A_240 : vector<16xi1>
      %lt3A_242 = arith.constant 1000000 : i32
      %lt3A_243 = vector.broadcast %lt3A_242 : i32 to vector<16xi32>
      %lt3A_244 = arith.cmpi slt, %add3A_238, %lt3A_243 : vector<16xi32>
      %and3A_245 = arith.andi %and3A_241, %lt3A_244 : vector<16xi1>
      %select_n3A_246 = arith.select %and3A_245, %add3A_235, %select_n3A_197 : vector<16xi1>, vector<16xf32>
      %select_n3A_247 = arith.select %and3A_245, %add3A_238, %select_n3A_198 : vector<16xi1>, vector<16xi32>
      scf.yield %select_n3A_246, %select_n3A_247 : vector<16xf32>, vector<16xi32>
    }
    %scan3A_52 = arith.constant 246 : i32
    %swap3A = arith.constant 0 : index
    %swap3A_53 = tpu.vector_load %arg11[%swap3A] {strides = array<i32>} : memref<16xf32, #tpu.memory_space<vmem>>, vector<16xf32>,
    tpu.vector_store %arg11[%swap3A], %scan3A_51#0 {strides = array<i32>} : memref<16xf32, #tpu.memory_space<vmem>>, vector<16xf32>,
    %swap3A_54 = arith.constant 0 : index
    %swap3A_55 = tpu.vector_load %arg12[%swap3A_54] {strides = array<i32>} : memref<16xi32, #tpu.memory_space<vmem>>, vector<16xi32>,
    tpu.vector_store %arg12[%swap3A_54], %scan3A_51#1 {strides = array<i32>} : memref<16xi32, #tpu.memory_space<vmem>>, vector<16xi32>,
    "tpu.region"() ({
      %run_scoped3A = tpu.sem_alloc : memref<!tpu.dma_semaphore, #tpu.memory_space<semaphore_mem>>
      %dma_start3A_56 = arith.constant 0 : i32
      %dma_start3A_57 = tpu.memref_slice %arg5[%add3A, %dma_start3A_56] : memref<32x16xf32, #tpu.memory_space<hbm>> -> memref<1x16xf32, #tpu.memory_space<hbm>>
      %dma_start3A_58 = tpu.memref_squeeze %dma_start3A_57 : memref<1x16xf32, #tpu.memory_space<hbm>> -> memref<16xf32, #tpu.memory_space<hbm>>
      %dma_start3A_59 = arith.constant 0 : i32
      %dma_start3A_60 = tpu.memref_slice %arg5[%add3A, %dma_start3A_59] : memref<32x16xf32, #tpu.memory_space<hbm>> -> memref<1x16xf32, #tpu.memory_space<hbm>>
      %dma_start3A_61 = tpu.memref_squeeze %dma_start3A_60 : memref<1x16xf32, #tpu.memory_space<hbm>> -> memref<16xf32, #tpu.memory_space<hbm>>
      tpu.enqueue_dma source(%arg11 : memref<16xf32, #tpu.memory_space<vmem>>) target(%dma_start3A_61 : memref<16xf32, #tpu.memory_space<hbm>>) target_semaphore(%run_scoped3A : memref<!tpu.dma_semaphore, #tpu.memory_space<semaphore_mem>>)
      %dma_wait3A_62 = arith.constant 0 : i32
      %dma_wait3A_63 = tpu.memref_slice %arg5[%add3A, %dma_wait3A_62] : memref<32x16xf32, #tpu.memory_space<hbm>> -> memref<1x16xf32, #tpu.memory_space<hbm>>
      %dma_wait3A_64 = tpu.memref_squeeze %dma_wait3A_63 : memref<1x16xf32, #tpu.memory_space<hbm>> -> memref<16xf32, #tpu.memory_space<hbm>>
      %dma_wait3A_65 = arith.constant 0 : i32
      %dma_wait3A_66 = tpu.memref_slice %arg5[%add3A, %dma_wait3A_65] : memref<32x16xf32, #tpu.memory_space<hbm>> -> memref<1x16xf32, #tpu.memory_space<hbm>>
      %dma_wait3A_67 = tpu.memref_squeeze %dma_wait3A_66 : memref<1x16xf32, #tpu.memory_space<hbm>> -> memref<16xf32, #tpu.memory_space<hbm>>
      tpu.wait_dma2 semaphore(%run_scoped3A : memref<!tpu.dma_semaphore, #tpu.memory_space<semaphore_mem>>) src(%arg11 : memref<16xf32, #tpu.memory_space<vmem>>) dst(%dma_wait3A_67 : memref<16xf32, #tpu.memory_space<hbm>>)
      tpu.yield
    }) : () -> ()
    "tpu.region"() ({
      %run_scoped3A = tpu.sem_alloc : memref<!tpu.dma_semaphore, #tpu.memory_space<semaphore_mem>>
      %dma_start3A_56 = arith.constant 0 : i32
      %dma_start3A_57 = tpu.memref_slice %arg6[%add3A, %dma_start3A_56] : memref<32x16xi32, #tpu.memory_space<hbm>> -> memref<1x16xi32, #tpu.memory_space<hbm>>
      %dma_start3A_58 = tpu.memref_squeeze %dma_start3A_57 : memref<1x16xi32, #tpu.memory_space<hbm>> -> memref<16xi32, #tpu.memory_space<hbm>>
      %dma_start3A_59 = arith.constant 0 : i32
      %dma_start3A_60 = tpu.memref_slice %arg6[%add3A, %dma_start3A_59] : memref<32x16xi32, #tpu.memory_space<hbm>> -> memref<1x16xi32, #tpu.memory_space<hbm>>
      %dma_start3A_61 = tpu.memref_squeeze %dma_start3A_60 : memref<1x16xi32, #tpu.memory_space<hbm>> -> memref<16xi32, #tpu.memory_space<hbm>>
      tpu.enqueue_dma source(%arg12 : memref<16xi32, #tpu.memory_space<vmem>>) target(%dma_start3A_61 : memref<16xi32, #tpu.memory_space<hbm>>) target_semaphore(%run_scoped3A : memref<!tpu.dma_semaphore, #tpu.memory_space<semaphore_mem>>)
      %dma_wait3A_62 = arith.constant 0 : i32
      %dma_wait3A_63 = tpu.memref_slice %arg6[%add3A, %dma_wait3A_62] : memref<32x16xi32, #tpu.memory_space<hbm>> -> memref<1x16xi32, #tpu.memory_space<hbm>>
      %dma_wait3A_64 = tpu.memref_squeeze %dma_wait3A_63 : memref<1x16xi32, #tpu.memory_space<hbm>> -> memref<16xi32, #tpu.memory_space<hbm>>
      %dma_wait3A_65 = arith.constant 0 : i32
      %dma_wait3A_66 = tpu.memref_slice %arg6[%add3A, %dma_wait3A_65] : memref<32x16xi32, #tpu.memory_space<hbm>> -> memref<1x16xi32, #tpu.memory_space<hbm>>
      %dma_wait3A_67 = tpu.memref_squeeze %dma_wait3A_66 : memref<1x16xi32, #tpu.memory_space<hbm>> -> memref<16xi32, #tpu.memory_space<hbm>>
      tpu.wait_dma2 semaphore(%run_scoped3A : memref<!tpu.dma_semaphore, #tpu.memory_space<semaphore_mem>>) src(%arg12 : memref<16xi32, #tpu.memory_space<vmem>>) dst(%dma_wait3A_67 : memref<16xi32, #tpu.memory_space<hbm>>)
      tpu.yield
    }) : () -> ()
    return
  }
}

module attributes {stable_mosaic.version = 14 : i64} {
  func.func @_merge_body(%arg0: i32, %arg1: memref<1xi32, #tpu.memory_space<smem>>, %arg2: memref<4xf32, #tpu.memory_space<smem>>, %arg3: memref<32x16xf32, #tpu.memory_space<vmem>>, %arg4: memref<32x16xi32, #tpu.memory_space<vmem>>, %arg5: memref<3x8192xf32, #tpu.memory_space<vmem>>, %arg6: memref<8x1000000xf32, #tpu.memory_space<any>>, %arg7: memref<3x128xf32, #tpu.memory_space<vmem>>, %arg8: memref<1xi32, #tpu.memory_space<smem>>, %arg9: memref<8x128xf32, #tpu.memory_space<vmem>>, %arg10: memref<!tpu.dma_semaphore, #tpu.memory_space<semaphore_mem>>) attributes {dimension_semantics = [#tpu.dimension_semantics<arbitrary>], iteration_bounds = array<i64: 1>, scalar_prefetch = 0 : i64, scratch_operands = 3 : i64, tpu.core_type = #tpu.core_type<tc>, window_params = [{transform_indices = @transform_0, window_bounds = array<i64: 1>}, {transform_indices = @transform_1, window_bounds = array<i64: 4>}, {pipeline_mode = #tpu.pipeline_mode<synchronous>, transform_indices = @transform_2, window_bounds = array<i64: 32, 16>}, {pipeline_mode = #tpu.pipeline_mode<synchronous>, transform_indices = @transform_3, window_bounds = array<i64: 32, 16>}, {pipeline_mode = #tpu.pipeline_mode<synchronous>, transform_indices = @transform_4, window_bounds = array<i64: 3, 8192>}, {}, {pipeline_mode = #tpu.pipeline_mode<synchronous>, transform_indices = @transform_6, window_bounds = array<i64: 3, 128>}]} {
    %get3A = arith.constant 0 : index
    %get3A_0 = memref.load %arg1[%get3A] : memref<1xi32, #tpu.memory_space<smem>>
    %get3A_1 = arith.constant 0 : index
    %get3A_2 = arith.constant 0 : index
    %get3A_3 = vector.load %arg3[%get3A_1, %get3A_2] : memref<32x16xf32, #tpu.memory_space<vmem>>, vector<32x16xf32>
    %reduce_max3A = vector.shape_cast %get3A_3 : vector<32x16xf32> to vector<1x32x16xf32>
    %reduce_max3A_4 = arith.constant dense<0xFF800000> : vector<1xf32>
    %reduce_max3A_5 = vector.multi_reduction <maximumf>, %reduce_max3A, %reduce_max3A_4 [1, 2] : vector<1x32x16xf32> to vector<1xf32>
    %reduce_max3A_6 = vector.shape_cast %reduce_max3A_5 : vector<1xf32> to vector<1x1x1xf32>
    %reduce_max3A_7 = vector.extract %reduce_max3A_6[0, 0, 0] : f32 from vector<1x1x1xf32>
    %eq3A = vector.broadcast %reduce_max3A_7 : f32 to vector<32x16xf32>
    %eq3A_8 = arith.cmpf oeq, %get3A_3, %eq3A : vector<32x16xf32>
    %get3A_9 = arith.constant 0 : index
    %get3A_10 = arith.constant 0 : index
    %get3A_11 = vector.load %arg4[%get3A_9, %get3A_10] : memref<32x16xi32, #tpu.memory_space<vmem>>, vector<32x16xi32>
    %jit3A = arith.constant 2147483647 : i32
    %broadcast_in_dim3A = vector.broadcast %jit3A : i32 to vector<32x16xi32>
    %select_n3A = arith.select %eq3A_8, %get3A_11, %broadcast_in_dim3A : vector<32x16xi1>, vector<32x16xi32>
    %reduce_min3A = vector.shape_cast %select_n3A : vector<32x16xi32> to vector<1x32x16xi32>
    %reduce_min3A_12 = arith.constant dense<2147483647> : vector<1xi32>
    %reduce_min3A_13 = vector.multi_reduction <minsi>, %reduce_min3A, %reduce_min3A_12 [1, 2] : vector<1x32x16xi32> to vector<1xi32>
    %reduce_min3A_14 = vector.shape_cast %reduce_min3A_13 : vector<1xi32> to vector<1x1x1xi32>
    %reduce_min3A_15 = vector.extract %reduce_min3A_14[0, 0, 0] : i32 from vector<1x1x1xi32>
    %swap3A = arith.constant 0 : index
    %swap3A_16 = memref.load %arg8[%swap3A] : memref<1xi32, #tpu.memory_space<smem>>
    memref.store %reduce_min3A_15, %arg8[%swap3A] : memref<1xi32, #tpu.memory_space<smem>>
    %get3A_17 = arith.constant 0 : index
    %get3A_18 = memref.load %arg8[%get3A_17] : memref<1xi32, #tpu.memory_space<smem>>
    %jit3A_19 = arith.constant 128 : i32
    %div3A = arith.divsi %get3A_18, %jit3A_19 : i32
    %sign3A = arith.constant 0 : i32
    %sign3A_20 = arith.cmpi sgt, %get3A_18, %sign3A : i32
    %sign3A_21 = arith.extui %sign3A_20 : i1 to i32
    %sign3A_22 = arith.constant 0 : i32
    %sign3A_23 = arith.cmpi slt, %get3A_18, %sign3A_22 : i32
    %sign3A_24 = arith.extui %sign3A_23 : i1 to i32
    %sign3A_25 = arith.subi %sign3A_21, %sign3A_24 : i32
    %sign3A_26 = arith.constant 0 : i32
    %sign3A_27 = arith.cmpi sgt, %jit3A_19, %sign3A_26 : i32
    %sign3A_28 = arith.extui %sign3A_27 : i1 to i32
    %sign3A_29 = arith.constant 0 : i32
    %sign3A_30 = arith.cmpi slt, %jit3A_19, %sign3A_29 : i32
    %sign3A_31 = arith.extui %sign3A_30 : i1 to i32
    %sign3A_32 = arith.subi %sign3A_28, %sign3A_31 : i32
    %ne3A = arith.cmpi ne, %sign3A_25, %sign3A_32 : i32
    %rem3A = arith.remsi %get3A_18, %jit3A_19 : i32
    %ne3A_33 = arith.constant 0 : i32
    %ne3A_34 = arith.cmpi ne, %rem3A, %ne3A_33 : i32
    %and3A = arith.andi %ne3A, %ne3A_34 : i1
    %sub3A = arith.constant 1 : i32
    %sub3A_35 = arith.subi %div3A, %sub3A : i32
    %select_n3A_36 = arith.select %and3A, %sub3A_35, %div3A : i32
    %mul3A = arith.constant 128 : i32
    %mul3A_37 = arith.muli %select_n3A_36, %mul3A : i32
    %multiple_of3A = tpu.assume_multiple %mul3A_37, 128 : i32
    %dma_start3A = arith.constant 0 : i32
    %dma_start3A_38 = tpu.memref_slice %arg6[%dma_start3A, %multiple_of3A] : memref<8x1000000xf32, #tpu.memory_space<any>> -> memref<8x128xf32, #tpu.memory_space<any>>
    tpu.enqueue_dma source(%dma_start3A_38 : memref<8x128xf32, #tpu.memory_space<any>>) target(%arg9 : memref<8x128xf32, #tpu.memory_space<vmem>>) target_semaphore(%arg10 : memref<!tpu.dma_semaphore, #tpu.memory_space<semaphore_mem>>)
    %dma_wait3A = arith.constant 0 : i32
    %dma_wait3A_39 = tpu.memref_slice %arg6[%dma_wait3A, %multiple_of3A] : memref<8x1000000xf32, #tpu.memory_space<any>> -> memref<8x128xf32, #tpu.memory_space<any>>
    tpu.wait_dma2 semaphore(%arg10 : memref<!tpu.dma_semaphore, #tpu.memory_space<semaphore_mem>>) src(%dma_wait3A_39 : memref<8x128xf32, #tpu.memory_space<any>>) dst(%arg9 : memref<8x128xf32, #tpu.memory_space<vmem>>)
    %iota3A = tpu.iota {dimensions = array<i32: 1>} : vector<8x128xi32>
    %sub3A_40 = arith.subi %get3A_18, %multiple_of3A : i32
    %eq3A_41 = vector.broadcast %sub3A_40 : i32 to vector<8x128xi32>
    %eq3A_42 = arith.cmpi eq, %iota3A, %eq3A_41 : vector<8x128xi32>
    %get3A_43 = arith.constant 0 : index
    %get3A_44 = arith.constant 0 : index
    %get3A_45 = vector.load %arg9[%get3A_43, %get3A_44] : memref<8x128xf32, #tpu.memory_space<vmem>>, vector<8x128xf32>
    %jit3A_46 = arith.constant 0.000000e+00 : f32
    %broadcast_in_dim3A_47 = vector.broadcast %jit3A_46 : f32 to vector<8x128xf32>
    %select_n3A_48 = arith.select %eq3A_42, %get3A_45, %broadcast_in_dim3A_47 : vector<8x128xi1>, vector<8x128xf32>
    %reduce_sum3A = arith.constant dense<0.000000e+00> : vector<8xf32>
    %reduce_sum3A_49 = vector.multi_reduction <add>, %select_n3A_48, %reduce_sum3A [1] : vector<8x128xf32> to vector<8xf32>
    %broadcast_in_dim3A_50 = vector.shape_cast %reduce_sum3A_49 : vector<8xf32> to vector<8x1xf32>
    %slice3A = vector.extract_strided_slice %broadcast_in_dim3A_50 {offsets = [4, 0], sizes = [3, 1], strides = [1, 1]} : vector<8x1xf32> to vector<3x1xf32>
    %get3A_51 = arith.constant 0 : index
    %get3A_52 = arith.constant 0 : index
    %get3A_53 = vector.load %arg5[%get3A_51, %get3A_52] : memref<3x8192xf32, #tpu.memory_space<vmem>>, vector<3x8192xf32>
    %reduce_sum3A_54 = arith.constant dense<0.000000e+00> : vector<3xf32>
    %reduce_sum3A_55 = vector.multi_reduction <add>, %get3A_53, %reduce_sum3A_54 [1] : vector<3x8192xf32> to vector<3xf32>
    %broadcast_in_dim3A_56 = vector.shape_cast %reduce_sum3A_55 : vector<3xf32> to vector<3x1xf32>
    %mul3A_57 = arith.mulf %broadcast_in_dim3A_56, %broadcast_in_dim3A_56 : vector<3x1xf32>
    %reduce_sum3A_58 = vector.shape_cast %mul3A_57 : vector<3x1xf32> to vector<1x3x1xf32>
    %reduce_sum3A_59 = arith.constant dense<0.000000e+00> : vector<1xf32>
    %reduce_sum3A_60 = vector.multi_reduction <add>, %reduce_sum3A_58, %reduce_sum3A_59 [1, 2] : vector<1x3x1xf32> to vector<1xf32>
    %reduce_sum3A_61 = vector.shape_cast %reduce_sum3A_60 : vector<1xf32> to vector<1x1x1xf32>
    %reduce_sum3A_62 = vector.extract %reduce_sum3A_61[0, 0, 0] : f32 from vector<1x1x1xf32>
    %sqrt3A = math.sqrt %reduce_sum3A_62 : f32
    %add3A = arith.constant 9.99999993E-9 : f32
    %add3A_63 = arith.addf %sqrt3A, %add3A : f32
    %div3A_64 = vector.broadcast %add3A_63 : f32 to vector<3x1xf32>
    %div3A_65 = arith.divf %broadcast_in_dim3A_56, %div3A_64 : vector<3x1xf32>
    %cos3A = math.cos %sqrt3A : f32
    %sin3A = math.sin %sqrt3A : f32
    %mul3A_66 = vector.broadcast %sin3A : f32 to vector<3x1xf32>
    %mul3A_67 = arith.mulf %div3A_65, %mul3A_66 : vector<3x1xf32>
    %convert_element_type3A = arith.truncf %cos3A : f32 to bf16
    %convert_element_type3A_68 = arith.extf %convert_element_type3A : bf16 to f32
    %get3A_69 = arith.constant 0 : index
    %get3A_70 = memref.load %arg2[%get3A_69] : memref<4xf32, #tpu.memory_space<smem>>
    %mul3A_71 = arith.mulf %convert_element_type3A_68, %get3A_70 : f32
    %slice3A_72 = vector.extract_strided_slice %mul3A_67 {offsets = [0, 0], sizes = [1, 1], strides = [1, 1]} : vector<3x1xf32> to vector<1x1xf32>
    %squeeze3A = vector.extract %slice3A_72[0, 0] : f32 from vector<1x1xf32>
    %convert_element_type3A_73 = arith.truncf %squeeze3A : f32 to bf16
    %convert_element_type3A_74 = arith.extf %convert_element_type3A_73 : bf16 to f32
    %get3A_75 = arith.constant 1 : index
    %get3A_76 = memref.load %arg2[%get3A_75] : memref<4xf32, #tpu.memory_space<smem>>
    %mul3A_77 = arith.mulf %convert_element_type3A_74, %get3A_76 : f32
    %add3A_78 = arith.addf %mul3A_71, %mul3A_77 : f32
    %slice3A_79 = vector.extract_strided_slice %mul3A_67 {offsets = [1, 0], sizes = [1, 1], strides = [1, 1]} : vector<3x1xf32> to vector<1x1xf32>
    %squeeze3A_80 = vector.extract %slice3A_79[0, 0] : f32 from vector<1x1xf32>
    %convert_element_type3A_81 = arith.truncf %squeeze3A_80 : f32 to bf16
    %convert_element_type3A_82 = arith.extf %convert_element_type3A_81 : bf16 to f32
    %get3A_83 = arith.constant 2 : index
    %get3A_84 = memref.load %arg2[%get3A_83] : memref<4xf32, #tpu.memory_space<smem>>
    %mul3A_85 = arith.mulf %convert_element_type3A_82, %get3A_84 : f32
    %add3A_86 = arith.addf %add3A_78, %mul3A_85 : f32
    %slice3A_87 = vector.extract_strided_slice %mul3A_67 {offsets = [2, 0], sizes = [1, 1], strides = [1, 1]} : vector<3x1xf32> to vector<1x1xf32>
    %squeeze3A_88 = vector.extract %slice3A_87[0, 0] : f32 from vector<1x1xf32>
    %convert_element_type3A_89 = arith.truncf %squeeze3A_88 : f32 to bf16
    %convert_element_type3A_90 = arith.extf %convert_element_type3A_89 : bf16 to f32
    %get3A_91 = arith.constant 3 : index
    %get3A_92 = memref.load %arg2[%get3A_91] : memref<4xf32, #tpu.memory_space<smem>>
    %mul3A_93 = arith.mulf %convert_element_type3A_90, %get3A_92 : f32
    %add3A_94 = arith.addf %add3A_86, %mul3A_93 : f32
    %gt3A = arith.cmpf ogt, %add3A_94, %reduce_max3A_7 : f32
    %eq3A_95 = arith.cmpf oeq, %add3A_94, %reduce_max3A_7 : f32
    %lt3A = arith.cmpi slt, %get3A_0, %get3A_18 : i32
    %and3A_96 = arith.andi %eq3A_95, %lt3A : i1
    %or3A = arith.ori %gt3A, %and3A_96 : i1
    %select_n3A_97 = arith.select %or3A, %broadcast_in_dim3A_56, %slice3A : vector<3x1xf32>
    %broadcast_in_dim3A_98 = vector.shape_cast %select_n3A_97 : vector<3x1xf32> to vector<3x1xf32>
    %broadcast_in_dim3A_99 = vector.broadcast %broadcast_in_dim3A_98 : vector<3x1xf32> to vector<3x128xf32>
    %swap3A_100 = arith.constant 0 : index
    %swap3A_101 = arith.constant 0 : index
    %swap3A_102 = vector.load %arg7[%swap3A_100, %swap3A_101] : memref<3x128xf32, #tpu.memory_space<vmem>>, vector<3x128xf32>
    tpu.vector_store %arg7[%swap3A_100, %swap3A_101], %broadcast_in_dim3A_99 {strides = array<i32>} : memref<3x128xf32, #tpu.memory_space<vmem>>, vector<3x128xf32>,
    return
  }
  func.func @transform_0(%arg0: i32) -> i32 {
    %c0_i32 = arith.constant 0 : i32
    %c0_i32_0 = arith.constant 0 : i32
    return %c0_i32 : i32
  }
  func.func @transform_1(%arg0: i32) -> i32 {
    %c0_i32 = arith.constant 0 : i32
    %c0_i32_0 = arith.constant 0 : i32
    return %c0_i32 : i32
  }
  func.func @transform_2(%arg0: i32) -> (i32, i32) {
    %c0_i32 = arith.constant 0 : i32
    %c0_i32_0 = arith.constant 0 : i32
    %c0_i32_1 = arith.constant 0 : i32
    return %c0_i32, %c0_i32_0 : i32, i32
  }
  func.func @transform_3(%arg0: i32) -> (i32, i32) {
    %c0_i32 = arith.constant 0 : i32
    %c0_i32_0 = arith.constant 0 : i32
    %c0_i32_1 = arith.constant 0 : i32
    return %c0_i32, %c0_i32_0 : i32, i32
  }
  func.func @transform_4(%arg0: i32) -> (i32, i32) {
    %c0_i32 = arith.constant 0 : i32
    %c0_i32_0 = arith.constant 0 : i32
    %c0_i32_1 = arith.constant 0 : i32
    return %c0_i32, %c0_i32_0 : i32, i32
  }
  func.func @transform_6(%arg0: i32) -> (i32, i32) {
    %c0_i32 = arith.constant 0 : i32
    %c0_i32_0 = arith.constant 0 : i32
    %c0_i32_1 = arith.constant 0 : i32
    return %c0_i32, %c0_i32_0 : i32, i32
  }
}

</mosaic_0001>

<sc_bundles>
// kernel: kernel.4.cloned.1.call-start
scs
__scs_entry_jumppad:
0x0: {  	(pc) =	sbr.rel $0x88, $3  }
0x1: {  	(tag) =	ssettag $0x0;
	lr =	simm.s32 $0x1  }
0x2: {  	[smem:$0x3F9D] =	sst lr;
	_ =	strace $0xD0000000  }
0x3: {  	_ = 	snop  }
0x4: {  	_ = 	snop  }
0x5: {  	_ = 	snop  }
0x6: {  	_ = 	snop  }
0x7: {  	_ = 	snop  }
__scs_overlays_trampoline_lowered:
0x8: {  	[smem:$0x3FAC] =	sst s0  }
0x9: {  	[smem:$0x3FAD] =	sst s1  }
0xa: {  	[smem:$0x3FAE] =	sst s2  }
0xb: {  	[smem:$0x3FAF] =	sst s3  }
0xc: {  	[smem:$0x3FB0] =	sst s4  }
0xd: {  	[smem:$0x3FB1] =	sst s5  }
0xe: {  	[smem:$0x3FB2] =	sst s6  }
0xf: {  	[smem:$0x3FB3] =	sst s7  }
0x10: {  	[smem:$0x3FB4] =	sst s8  }
0x11: {  	[smem:$0x3FB5] =	sst s9;
	s0 =	simm.s32 @!p0 $0x0  }
0x12: {  	s1 =	sld [smem:$0x3F9B];
	s0 =	simm.s32 @p0 $0x1  }
0x13: {  	[smem:$0x3FB6] =	sst s0;
	s0 =	simm.s32 @!p1 $0x0  }
0x14: {  	s2 =	sld [smem:$0x3F9A];
	s0 =	simm.s32 @p1 $0x1  }
0x15: {  	[smem:$0x3FB7] =	sst s0;
	s0 =	simm.s32 @!p2 $0x0  }
0x16: {  	s3 =	sld [smem:$0x3FDB];
	s0 =	simm.s32 @p2 $0x1  }
0x17: {  	s4 =	simm.s32 $0x1BF5;
	[smem:$0x3FB9] =	sst s0  }
0x18: {  	s0 =	sld [smem:$0x3F9C];
	_ =	swait.ge [sflag:s4], $0x0  }
0x19: {  	s7 =	sld [smem:$0x3F9D]  }
0x1a: {  	s8 =	sadd.s32 $0xFFFFE003, lr  }
0x1b: {  	s9 =	sadd.s32 $0xFFFFFEF7, lr;
	s5 =	simm.s32 $0xFFFFFFFF;
	p2 =	slt.u32 s8, $0xFFFFF086  }
0x1c: {  	p1 =	slt.u32 s9, $0xF7A;
	s5 =	simm.s32 @!p2 $0x0  }
0x1d: {  	s5 =	simm.s32 @p1 $0x1;
	p0 =	seq.s32 s7, s2  }
0x1e: {  	s7 =	smul.u32 @!p0 $0xF7A, s2;
	p2 =	seq.s32 @!p0 s5, $0x0  }
0x1f: {  	s9 =	smul.u32 $0xF7A, s1;
	s8 =	simm.s32 @!p0 $0x1BF5;
	p2 =	por !p2, p0  }
0x20: {  	[sflag:s8] =	ssyncset.s32 @!p0 $0xFFFFF086;
	s6 =	sadd.s32 @!p0 s3, s7;
	s7 =	simm.s32 @!p0 $0x108  }
0x21: {  	s3 =	sadd.s32 s3, s9;
	s6 =	sadd.s32 @!p0 $0x88, s6;
	s7 =	simm.s32 @p2 $0x1082  }
0x22: {  	[simem:s7], [sflag:s8] =	dma.local @!p0 [hbm:s6], $0xF7A  }
0x23: {  	s9 =	sor.u32 $0xD0000000, s2;
	s6 =	simm.s32 $0x108;
	_ =	swait.ge @!p0 [sflag:s8], $0x0  }
0x24: {  	s3 =	sadd.s32 $0x88, s3;
	s6 =	simm.s32 @!p1 $0x1082;
	[sflag:s4] =	ssyncset.s32 $0xFFFFF086  }
0x25: {  	[simem:s6], [sflag:s4] =	dma.local [hbm:s3], $0xF7A  }
0x26: {  	[smem:$0x3F9D] =	sst s1;
	(tag) =	ssettag s2;
	_ =	strace s9  }
0x27: {  	s1 =	sld [smem:$0x3FAD]  }
0x28: {  	s2 =	sld [smem:$0x3FAE]  }
0x29: {  	s4 =	sld [smem:$0x3FB0]  }
0x2a: {  	p0 =	seq.s32 s5, $0x0;
	s5 =	sld [smem:$0x3FB1]  }
0x2b: {  	s6 =	sld [smem:$0x3FB2]  }
0x2c: {  	s7 =	sld [smem:$0x3FB3]  }
0x2d: {  	s3 =	simm.s32 $0x108;
	s8 =	sld [smem:$0x3FB4]  }
0x2e: {  	s3 =	simm.s32 @!p0 $0x1082;
	s9 =	sld [smem:$0x3FB5]  }
0x2f: {  	lr =	sadd.s32 s0, s3;
	s0 =	sld [smem:$0x3FAC]  }
0x30: {  	s3 =	sld [smem:$0x3FAF]  }
0x31: {  	[smem:$0x3FB8] =	sst s10  }
0x32: {  	s10 =	sld [smem:$0x3FB6];
	_ =	sdelay $0x3  }
0x33: {  	p0 =	seq.s32 s10, $0x1;
	s10 =	sld [smem:$0x3FB8];
	_ =	sdelay $0x3  }
0x34: {  	[smem:$0x3FB8] =	sst s10  }
0x35: {  	s10 =	sld [smem:$0x3FB7];
	_ =	sdelay $0x3  }
0x36: {  	p1 =	seq.s32 s10, $0x1;
	s10 =	sld [smem:$0x3FB8];
	_ =	sdelay $0x3  }
0x37: {  	[smem:$0x3FB8] =	sst s10  }
0x38: {  	s10 =	sld [smem:$0x3FB9]  }
0x39: {  	_ = 	snop;
	(pc) =	sbr.ind lr, $3  }
0x3a: {  	_ = 	snop  }
0x3b: {  	_ = 	snop  }
0x3c: {  	p2 =	seq.s32 s10, $0x1;
	s10 =	sld [smem:$0x3FB8]  }
0x3d: {  	_ =	shalt  }
0x3e: {  	_ =	shalt  }
0x3f: {  	_ =	shalt  }
0x40: {  	_ =	shalt  }
0x41: {  	_ =	shalt  }
0x42: {  	_ =	shalt  }
0x43: {  	_ =	shalt  }
0x44: {  	_ =	shalt  }
0x45: {  	_ =	shalt  }
0x46: {  	_ =	shalt  }
0x47: {  	_ =	shalt  }
0x48: {  	_ =	shalt  }
0x49: {  	_ =	shalt  }
0x4a: {  	_ =	shalt  }
0x4b: {  	_ =	shalt  }
0x4c: {  	_ =	shalt  }
0x4d: {  	_ =	shalt  }
0x4e: {  	_ =	shalt  }
0x4f: {  	_ =	shalt  }
0x50: {  	_ =	shalt  }
0x51: {  	_ =	shalt  }
0x52: {  	_ =	shalt  }
0x53: {  	_ =	shalt  }
0x54: {  	_ =	shalt  }
0x55: {  	_ =	shalt  }
0x56: {  	_ =	shalt  }
0x57: {  	_ =	shalt  }
0x58: {  	_ =	shalt  }
0x59: {  	_ =	shalt  }
0x5a: {  	_ =	shalt  }
0x5b: {  	_ =	shalt  }
0x5c: {  	_ =	shalt  }
0x5d: {  	_ =	shalt  }
0x5e: {  	_ =	shalt  }
0x5f: {  	_ =	shalt  }
0x60: {  	_ =	shalt  }
0x61: {  	_ =	shalt  }
0x62: {  	_ =	shalt  }
0x63: {  	_ =	shalt  }
0x64: {  	_ =	shalt  }
0x65: {  	_ =	shalt  }
0x66: {  	_ =	shalt  }
0x67: {  	_ =	shalt  }
0x68: {  	_ =	shalt  }
0x69: {  	_ =	shalt  }
0x6a: {  	_ =	shalt  }
0x6b: {  	_ =	shalt  }
0x6c: {  	_ =	shalt  }
0x6d: {  	_ =	shalt  }
0x6e: {  	_ =	shalt  }
0x6f: {  	_ =	shalt  }
0x70: {  	_ =	shalt  }
0x71: {  	_ =	shalt  }
0x72: {  	_ =	shalt  }
0x73: {  	_ =	shalt  }
0x74: {  	_ =	shalt  }
0x75: {  	_ =	shalt  }
0x76: {  	_ =	shalt  }
0x77: {  	_ =	shalt  }
0x78: {  	_ =	shalt  }
0x79: {  	_ =	shalt  }
0x7a: {  	_ =	shalt  }
0x7b: {  	_ =	shalt  }
0x7c: {  	_ =	shalt  }
0x7d: {  	_ =	shalt  }
0x7e: {  	_ =	shalt  }
0x7f: {  	_ =	shalt  }
0x80: {  	_ =	shalt  }
0x81: {  	_ =	shalt  }
0x82: {  	_ =	shalt  }
0x83: {  	_ =	shalt  }
0x84: {  	_ =	shalt  }
0x85: {  	_ =	shalt  }
0x86: {  	_ =	shalt  }
0x87: {  	_ =	shalt  }
.Lfunc_end0:
.L_simem_size_0:
called_computation_lowered:
.L_overlay_start_0:
0x88: {  	s2 =	sld [smem:$0x3FD9]  }
0x89: {  	s3 =	sld [smem:$0x3FFE];
	_ =	sdelay $0x1  }
0x8a: {  	s1 =	srdreg.scid  }
0x8b: {  	s0 =	sand.u32 $0x1, s1  }
0x8c: {  	s17 =	sshll.u32 s0, $0xA;
	s2 =	sadd.s32 s3, s2  }
0x8d: {  	s2 =	sadd.s32 s2, s17  }
0x8e: {  	[smem:$0x3FC4] =	sst s2  }
0x8f: {  	_ = 	snop  }
0x90: {  	s2 =	sld [smem:$0x3FC7];
	(tm) =	ssettm $0x1  }
0x91: {  	s18 =	sld [smem:$0x3FFB];
	_ =	sdelay $0x3  }
0x92: {  	_ =	strace s18  }
0x93: {  	s3 =	sld [smem:$0x3FFC];
	_ =	sdelay $0x3  }
0x94: {  	_ =	strace s3  }
0x95: {  	s3 =	sld [smem:$0x3FFD];
	_ =	sdelay $0x3  }
0x96: {  	_ =	strace s3  }
0x97: {  	_ =	strace $0x8FFFFFFF  }
0x98: {  	s19 =	sld [smem:$0x3FDB];
	_ =	sdelay $0x1  }
0x99: {  	s4 =	simm.s32 $_scs_section_size  }
0x9a: {  	s5 =	simm.s32 $_size__tile_overlayer_lowered;
	s6 =	simm.s32 $_tile_overlayer_lowered  }
0x9b: {  	s22 =	simm.s32 $0x1BFF;
	s21 =	sshll.u32 s6, $0x1;
	s3 =	sadd.s32 s4, s19  }
0x9c: {  	s7 =	simm.s32 $0x0;
	s20 =	sshll.u32 s5, $0x1;
	s5 =	sadd.s32 s21, s3  }
0x9d: {  	[timem:s7], [sflag:s22] =	dma.local [hbm:s5], s20  }
0x9e: {  	_ =	swait.ge [sflag:s22], s20  }
0x9f: {  	s4 =	ssub.s32 $0x0, s20;
	[sflag:s22] =	ssyncset.done $0x0  }
0xa0: {  	[sflag:s22] =	ssyncadd.s32 s4;
	_ =	sdelay $0x1  }
0xa1: {  	s23 =	simm.s32 $0x1B8B  }
0xa2: {  	_ =	swait.ge [sflag:s23], $0x1  }
0xa3: {  	[sflag:s23] =	ssyncset.done $0x0  }
0xa4: {  	s25 =	simm.s32 $0x1B8E;
	s24 =	sld [smem:$0x3FFE];
	[sflag:s23] =	ssyncadd.s32 $0xFFFFFFFF  }
0xa5: {  	s26 =	simm.s32 $execute0_lowered;
	[smem:$0x3FD2] =	sst s25  }
0xa6: {  	s5 =	sshll.u32 s26, $0x1;
	_ =	strace $0x80000046;
	[dreg:$0x1] =	wrdreg $0xFFFFFFFF  }
0xa7: {  	s28 =	simm.s32 $_size_execute0_lowered;
	s3 =	sadd.s32 s3, s5;
	[dreg:$0x0] =	wrdreg $0x0  }
0xa8: {  	s5 =	sshll.u32 s28, $0x1;
	[dreg:$0x2] =	wrdreg s3  }
0xa9: {  	[dreg:$0x3] =	wrdreg s5  }
0xaa: {  	[dreg:$0x4] =	wrdreg $0xC0  }
0xab: {  	_ =	task [dreg:s7], $0x5FFFF  }
0xac: {  	[dreg:$0x1] =	wrdreg $0xFFFFFFFF  }
0xad: {  	[dreg:$0x0] =	wrdreg $0x60  }
0xae: {  	[dreg:$0x2] =	wrdreg s2  }
0xaf: {  	[dreg:$0x3] =	wrdreg s24  }
0xb0: {  	[dreg:$0x4] =	wrdreg $0x9  }
0xb1: {  	_ =	task.clear_ibuf [dreg:s7], $0x5FFFF;
	_ =	strace $0x90000046  }
0xb2: {  	s29 =	simm.s32 $0x9;
	_ =	strace $0x80000048  }
0xb3: {  	_ =	swait.ge [sflag:s29], $0x1  }
0xb4: {  	[sflag:s29] =	ssyncadd.s32 $0xFFFFFFFF  }
0xb5: {  	_ =	strace $0x90000048  }
0xb6: {  	_ =	sfence  }
0xb7: {  	s30 =	sld [smem:$0x0];
	_ =	sdelay $0x2  }
0xb8: {  	s31 =	sshll.u32 s1, $0xD;
	s1 =	sshrl.u32 s1, $0x2  }
0xb9: {  	s3 =	sand.u32 $0x4000, s31;
	s1 =	sadd.s32 s1, s30  }
0xba: {  	s0 =	sor.u32 s3, s0;
	s1 =	sshll.u32 s1, $0x11  }
0xbb: {  	s0 =	sor.u32 s1, s0  }
0xbc: {  	s0 =	sadd.s32 $0x8F2B, s0  }
0xbd: {  	[sflag:s0] =	ssyncadd.remote.s32 $0x1  }
0xbe: {  	_ =	sfence.sel $0xFFFF  }
0xbf: {  	[dreg:$0x0] =	wrdreg $0xFFFFFFFF;
	(pc) =	sbr.abs _section_cstart, $3  }
0xc0: {  	[dreg:$0x1] =	wrdreg $0xFFFFFFFF  }
0xc1: {  	_ =	task.clear_ibuf [dreg:s7], $0x2FFFF;
	_ =	strace $0x9FFFFFFF  }
0xc2: {  	(tm) =	ssettm $0x7FFFFFFF  }
0xc3: {  	_ =	shalt  }
tec
execute0_lowered:
.L_overlay_start_1:
0x0: {  	(tag) =	ssettag $0x1  }
0x1: {  	s0 =	srdreg.scid;
	s5 =	rddreg [dreg:$0x0]  }
0x2: {  	s6 =	rddreg [dreg:$0x1];
	s1 =	stileid.u32  }
0x3: {  	s12 =	simm.s32 $0x400;
	s15 =	simm.s32 $0x3;
	s17 =	simm.s32 $0x1  }
0x4: {  	s18 =	simm.s32 $0x2;
	s19 =	simm.s32 $0x1EE80;
	s20 =	simm.s32 $0x1EF00  }
0x5: {  	s21 =	simm.s32 $0x0;
	s0 =	sand.u32 $0x1, s0;
	s7 =	sshll.u32 s1, $0x4  }
0x6: {  	s10 =	smul.u32 $0x7B00, s1;
	s2 =	sshll.u32 s0, $0x4;
	s7 =	sand.u32 $0x70, s7  }
0x7: {  	s29 =	ssub.s32 $0x2, s0;
	s0 =	smul.u32 $0x7B000, s0;
	s3 =	sor.u32 s1, s2  }
0x8: {  	s2 =	simm.s32 $0x0;
	s31 =	sshrl.u32 s29, $0x1;
	s4 =	sshll.u32 s3, $0x4  }
0x9: {  	[smem:$0x7FF] =	sst s2;
	s8 =	smul.u32 $0x7B00, s3;
	s3 =	sadd.s32 $0xE00, s6  }
0xa: {  	s11 =	ssub.s32 s29, s31;
	s0 =	sadd.s32 s10, s0;
	s4 =	sand.u32 $0x180, s4  }
0xb: {  	_ =	strace $0x80000047;
	s7 =	sor.u32 s7, s4;
	s30 =	smin.u32 s8, $0xEC780  }
0xc: {  	s10 =	smin.u32 s0, $0xEC780;
	s9 =	sadd.s32 s7, s6;
	s5 =	sadd.s32 s5, s30  }
0xd: {  	s4 =	sadd.s32 $0xC00, s6;
	s6 =	sadd.s32 $0x3D80, s5;
	s7 =	sadd.s32 $0x1000, s9  }
0xe: {  	v0 =	vlaneseq.u32;
	s8 =	sadd.s32 $0x1200, s9;
	s9 =	smax.u32 s11, $0x1;
	s11 =	simm.s32 $0x200  }
.LBB2_1:
0xf: {  	[tilespmem:s2], [sflag:$0x1] =	stream.strided.gather [hbm4b:s5+s11], $0xF600, s12, s11, $0x38;
	[tilespmem:$0x1EF80] =	vst v63  }
0x10: {  	s0 =	simm.s32 $0xF600  }
0x11: {  	[tilespmem:s0], [sflag:$0x2] =	stream.strided.gather [hbm4b:s6+s11], $0xF600, s12, s11, $0x38;
	[tilespmem:$0x1EF80] =	vst v63  }
0x12: {  	s1 =	simm.s32 $0x1EC00  }
0x13: {  	[tilespmem:s1], [sflag:$0x3] =	stream.linear.gather [hbm4b:s3+s2], $0x200, $0x38;
	[tilespmem:$0x1EF80] =	vst v63  }
0x14: {  	_ =	swait.ge [sflag:s15], $0x200  }
0x15: {  	[sflag:s15] =	ssyncset.done $0x0  }
0x16: {  	s13 =	simm.s32 $0x1EE00;
	[sflag:s15] =	ssyncadd.s32 $0xFFFFFE00  }
0x17: {  	[tilespmem:s13], [sflag:$0x3] =	stream.linear.gather [hbm4b:s4+s2], $0x80, $0x38;
	[tilespmem:$0x1EF80] =	vst v63  }
0x18: {  	_ =	swait.ge [sflag:s15], $0x80  }
0x19: {  	[sflag:s15] =	ssyncset.done $0x0  }
0x1a: {  	[sflag:s15] =	ssyncadd.s32 $0xFFFFFF80  }
0x1b: {  	v5 =	vld [tilespmem:$0x1EC00]  }
0x1c: {  	v3 =	vld [tilespmem:$0x1EC80]  }
0x1d: {  	v4 =	vld [tilespmem:$0x1ED00]  }
0x1e: {  	p0 =	por $0x0, $0x0;
	s14 =	simm.s32 $0x0;
	v2 =	vld [tilespmem:$0x1ED80]  }
0x1f: {  	s22 =	simm.s32 $0x1;
	s23 =	sand.u32 $0xFE00, s2;
	v1 =	vld [tilespmem:$0x1EE00];
	_ =	swait.ge [sflag:s17], $0xF600  }
0x20: {  	s22 =	simm.s32 @!p0 $0x0;
	s0 =	sand.u32 $0x40, s14;
	[sflag:s17] =	ssyncset.done $0x0  }
0x21: {  	s22 =	sshll.u32 s22, $0x6;
	s0 =	sor.u32 s0, s23;
	[sflag:s17] =	ssyncadd.s32 $0xFFFF0A00  }
0x22: {  	s22 =	sadd.s32 $0x0, s22;
	v6 =	vld [tilespmem:s0+$0x0]  }
0x23: {  	s24 =	sand.u32 $0x7, s2;
	s25 =	simm.s32 $0x10;
	s16 =	sor.u32 $0x100, s22;
	v8 =	vld [tilespmem:s0+$0x80]  }
0x24: {  	s24 =	sshll.u32 s24, $0x4;
	s26 =	sor.u32 $0x180, s22;
	s1 =	sand.u32 $0x50, s25;
	v9 =	vld [tilespmem:s16+$0x0]  }
0x25: {  	s24 =	sadd.s32 $0x0, s24;
	s13 =	sor.u32 s1, s23;
	v10 =	vld [tilespmem:s26+$0x0]  }
0x26: {  	s28 =	simm.s32 $0x20;
	s14 =	sadd.s32 $0x10, s24;
	s22 =	sadd.s32 $0x30, s10;
	v11 =	vld [tilespmem:s13+$0x0]  }
0x27: {  	s25 =	sor.u32 $0x180, s14;
	s1 =	sand.u32 $0x60, s28;
	s28 =	sadd.s32 $0xFFFFFFD0, s22;
	v12 =	vld [tilespmem:s13+$0x80]  }
0x28: {  	v13 =	vimm.f32 $-3.000000010e+38;
	v14 =	vimm.s32 $0x7FFFFFFF;
	s29 =	sand.u32 $0x3, s2;
	v20 =	vmov s28;
	s26 =	sadd.s32 $0xFFFFFFF0, s22;
	s16 =	sor.u32 $0x100, s14;
	v17 =	vld [tilespmem:s25+$0x0]  }
0x29: {  	s13 =	sshll.u32 s29, $0x5;
	s25 =	sor.u32 s1, s23;
	v7 =	vmov s26;
	v15 =	vld [tilespmem:s16+$0x0];
	v16 =	vmul.f32 v6, v5;
	v8 =	vmul.f32 v8, v3  }
0x2a: {  	s14 =	sadd.s32 $0xFFFFFFE0, s22;
	v19 =	vld [tilespmem:s25+$0x0];
	v6 =	vor.u32 s26, v0;
	s26 =	sadd.s32 $0x20, s13;
	v9 =	vmul.f32 v9, v4;
	v10 =	vmul.f32 v10, v2  }
0x2b: {  	v21 =	vor.u32 s28, v0;
	vm3 =	vlt.u32 v20, $0xF4240;
	s29 =	simm.s32 $0x30;
	v18 =	vmov s14;
	v23 =	vld [tilespmem:s25+$0x80];
	s16 =	sor.u32 $0x100, s26  }
0x2c: {  	v22 =	vor.u32 s14, v0;
	s25 =	sor.u32 $0x180, s26;
	s26 =	sand.u32 $0x70, s29;
	v8 =	vadd.f32 v8, v16;
	v9 =	vadd.f32 v10, v9;
	v10 =	vld [tilespmem:s16+$0x0]  }
0x2d: {  	vm0 =	vlt.u32 v18, $0xF4240;
	v11 =	vmul.f32 v11, v5;
	v12 =	vmul.f32 v12, v3;
	v57 =	vld [tilespmem:s25+$0x0];
	s1 =	sor.u32 s26, s23  }
0x2e: {  	s13 =	sadd.s32 $0x30, s24;
	v58 =	vld [tilespmem:s1+$0x0];
	v8 =	vadd.f32 v9, v8;
	v9 =	vmul.f32 v15, v4;
	v15 =	vmul.f32 v17, v2  }
0x2f: {  	vm1 =	vne.s32 v22, v1;
	vm2 =	vne.s32 v21, v1;
	v59 =	vmul.f32 v19, v5;
	s14 =	sor.u32 $0x100, s13;
	v60 =	vld [tilespmem:s1+$0x80]  }
0x30: {  	v11 =	vadd.f32 v12, v11;
	s16 =	sor.u32 $0x180, s13;
	vm4 =	vgt.f32 v8, v13;
	v9 =	vadd.f32 v15, v9;
	v15 =	vld [tilespmem:s14+$0x0]  }
0x31: {  	v12 =	vmul.f32 v23, v3;
	v62 =	vld [tilespmem:s16+$0x0];
	vm2 =	vmand vm2, vm4;
	v61 =	vmul.f32 v10, v4  }
0x32: {  	vm2 =	vmand vm3, vm2;
	v11 =	vadd.f32 v9, v11;
	v9 =	vmul.f32 v57, v2  }
0x33: {  	s30 =	simm.s32 $0x0;
	p0 =	por !p0, !p0;
	v10 =	vmul.f32 v58, v5;
	v8 =	vsel vm2, v8, v13;
	v63 =	vsel vm2, v21, v14  }
0x34: {  	s24 =	simm.s32 $0x20;
	s23 =	simm.s32 $0x40;
	s26 =	simm.s32 $0x1;
	v14 =	vadd.f32 v12, v59;
	vm2 =	vgt.f32 v11, v8;
	v9 =	vadd.f32 v9, v61  }
0x35: {  	s25 =	simm.s32 $0x100;
	s26 =	simm.s32 @!p0 $0x0;
	s29 =	sand.u32 $0x40, s23;
	v12 =	vmul.f32 v60, v3;
	vm1 =	vmand vm1, vm2;
	v13 =	vmul.f32 v15, v4  }
0x36: {  	s28 =	sand.u32 $0xFE00, s25;
	s23 =	simm.s32 $0x70;
	s0 =	sshll.u32 s26, $0x6;
	vm0 =	vmand vm0, vm1;
	v9 =	vadd.f32 v9, v14;
	v14 =	vmul.f32 v62, v2  }
0x37: {  	s31 =	sor.u32 s29, s28;
	s29 =	simm.s32 $0xB0;
	s26 =	simm.s32 $0x0;
	v11 =	vsel vm0, v11, v8;
	v8 =	vsel vm0, v22, v63;
	vm0 =	vne.s32 v6, v1  }
.LBB2_2:
0x38: {  	p1 =	sne.s32 s29, $0x3D70;
	s0 =	sadd.s32 s0, s25;
	v15 =	vld [tilespmem:s31+$0x0];
	vm1 =	vgt.f32 v9, v11;
	v10 =	vadd.f32 v12, v10;
	v12 =	vadd.f32 v14, v13;
	s30 =	sadd.s32 $0x4, s30  }
0x39: {  	s13 =	sadd.s32 $0xFFFFFFE0, s23;
	s1 =	sand.u32 $0x7, s30;
	v13 =	vld [tilespmem:s31+$0x80];
	s31 =	sor.u32 $0x100, s0;
	vm0 =	vmand vm0, vm1;
	vm1 =	vlt.u32 v7, $0xF4240  }
0x3a: {  	s0 =	sor.u32 $0x180, s0;
	s13 =	sand.u32 $0x50, s13;
	s1 =	sshll.u32 s1, $0x4;
	v14 =	vld [tilespmem:s31+$0x0];
	vm0 =	vmand vm1, vm0;
	v10 =	vadd.f32 v12, v10  }
0x3b: {  	s31 =	sadd.s32 s1, s25;
	v12 =	vld [tilespmem:s0+$0x0];
	s0 =	sadd.s32 s23, s10;
	s1 =	sor.u32 s13, s28;
	v9 =	vsel vm0, v9, v11;
	v8 =	vsel vm0, v6, v8;
	v11 =	vor.u32 s22, v0  }
0x3c: {  	s24 =	sadd.s32 $0x100, s24;
	v6 =	vmov s22;
	v16 =	vld [tilespmem:s1+$0x0];
	s13 =	sadd.s32 $0x10, s31;
	s14 =	sadd.s32 $0xFFFFFFF0, s0;
	vm0 =	vgt.f32 v10, v9;
	vm1 =	vne.s32 v11, v1  }
0x3d: {  	s26 =	sadd.s32 $0x2, s26;
	s22 =	sadd.s32 $0xFFFFFFF0, s23;
	v17 =	vld [tilespmem:s1+$0x80];
	s1 =	sor.u32 $0x100, s13;
	v7 =	vmov s14;
	vm0 =	vmand vm1, vm0;
	vm1 =	vlt.u32 v6, $0xF4240  }
0x3e: {  	s16 =	sand.u32 $0x3, s26;
	v15 =	vmul.f32 v15, v5;
	v6 =	vor.u32 s14, v0;
	v18 =	vld [tilespmem:s1+$0x0];
	s1 =	sor.u32 $0x180, s13;
	s13 =	sand.u32 $0x60, s22;
	vm0 =	vmand vm1, vm0  }
0x3f: {  	s14 =	sshll.u32 s16, $0x5;
	v13 =	vmul.f32 v13, v3;
	v19 =	vld [tilespmem:s1+$0x0];
	s1 =	sadd.s32 $0xFFFFFFE0, s0;
	s13 =	sor.u32 s13, s28;
	v9 =	vsel vm0, v10, v9;
	v8 =	vsel vm0, v11, v8  }
0x40: {  	s16 =	sadd.s32 $0xFFFFFFD0, s0;
	s14 =	sadd.s32 s14, s24;
	s22 =	smov.u32 s0;
	v10 =	vmul.f32 v14, v4;
	v11 =	vmul.f32 v12, v2;
	v12 =	vmov s1;
	v14 =	vld [tilespmem:s13+$0x0]  }
0x41: {  	v20 =	vmov s16;
	v21 =	vor.u32 s16, v0;
	s0 =	sor.u32 $0x100, s14;
	v22 =	vor.u32 s1, v0;
	v23 =	vld [tilespmem:s13+$0x80]  }
0x42: {  	v13 =	vadd.f32 v13, v15;
	s1 =	sand.u32 $0x70, s23;
	s23 =	smov.u32 s29;
	vm0 =	vlt.u32 v12, $0xF4240;
	v10 =	vadd.f32 v11, v10;
	v11 =	vld [tilespmem:s0+$0x0];
	s0 =	sor.u32 $0x180, s14  }
0x43: {  	v12 =	vmul.f32 v16, v5;
	vm1 =	vne.s32 v22, v1;
	v15 =	vmul.f32 v17, v3;
	v16 =	vld [tilespmem:s0+$0x0];
	s0 =	sor.u32 s1, s28  }
0x44: {  	s1 =	sadd.s32 $0x30, s31;
	v10 =	vadd.f32 v10, v13;
	v13 =	vmul.f32 v18, v4;
	v17 =	vmul.f32 v19, v2;
	v18 =	vld [tilespmem:s0+$0x0]  }
0x45: {  	vm2 =	vne.s32 v21, v1;
	vm3 =	vlt.u32 v20, $0xF4240;
	v14 =	vmul.f32 v14, v5;
	v19 =	vld [tilespmem:s0+$0x80];
	s0 =	sor.u32 $0x100, s1  }
0x46: {  	v12 =	vadd.f32 v15, v12;
	vm4 =	vgt.f32 v10, v9;
	v13 =	vadd.f32 v17, v13;
	v15 =	vld [tilespmem:s0+$0x0];
	s0 =	sor.u32 $0x180, s1  }
0x47: {  	v17 =	vmul.f32 v23, v3;
	vm2 =	vmand vm2, vm4;
	v11 =	vmul.f32 v11, v4;
	v20 =	vld [tilespmem:s0+$0x0]  }
0x48: {  	vm2 =	vmand vm3, vm2;
	v23 =	vadd.f32 v13, v12;
	v12 =	vmul.f32 v16, v2  }
.Ltmp0:
0x49: {  	v16 =	vsel vm2, v10, v9;
	v8 =	vsel vm2, v21, v8;
	v10 =	vmul.f32 v18, v5;
	(pc) =	sbr.rel @p1 .LBB2_2-.Ltmp0, $4  }
0x4a: {  	p0 =	por !p0, !p0;
	v9 =	vadd.f32 v17, v14;
	vm2 =	vgt.f32 v23, v16;
	v11 =	vadd.f32 v12, v11  }
0x4b: {  	s25 =	sadd.s32 $0x100, s25;
	s1 =	simm.s32 $0x1;
	s0 =	sadd.s32 $0xFFFFFFD0, s29;
	v12 =	vmul.f32 v19, v3;
	vm1 =	vmand vm1, vm2;
	v13 =	vmul.f32 v15, v4  }
0x4c: {  	s28 =	sand.u32 $0xFE00, s25;
	s1 =	simm.s32 @!p0 $0x0;
	s13 =	sand.u32 $0x40, s0;
	vm0 =	vmand vm0, vm1;
	v9 =	vadd.f32 v11, v9;
	v14 =	vmul.f32 v20, v2  }
0x4d: {  	s29 =	sadd.s32 $0x40, s29;
	s0 =	sshll.u32 s1, $0x6;
	s31 =	sor.u32 s13, s28;
	v11 =	vsel vm0, v23, v16;
	v8 =	vsel vm0, v22, v8;
	vm0 =	vne.s32 v6, v1  }
0x4e: {  	s0 =	sadd.s32 s0, s25;
	v15 =	vld [tilespmem:s31+$0x0];
	s1 =	sadd.s32 $0x4, s30;
	vm1 =	vgt.f32 v9, v11;
	v10 =	vadd.f32 v12, v10;
	v12 =	vadd.f32 v14, v13  }
0x4f: {  	v13 =	vld [tilespmem:s31+$0x80];
	s14 =	sadd.s32 $0xFFFFFFE0, s23;
	s1 =	sand.u32 $0x7, s1;
	s13 =	sor.u32 $0x100, s0;
	vm0 =	vmand vm0, vm1;
	vm1 =	vlt.u32 v7, $0xF4240  }
0x50: {  	s0 =	sor.u32 $0x180, s0;
	s14 =	sand.u32 $0x50, s14;
	s1 =	sshll.u32 s1, $0x4;
	v7 =	vld [tilespmem:s13+$0x0];
	vm0 =	vmand vm1, vm0;
	v10 =	vadd.f32 v12, v10  }
0x51: {  	v12 =	vld [tilespmem:s0+$0x0];
	s16 =	sor.u32 s14, s28;
	s1 =	sadd.s32 s1, s25;
	v9 =	vsel vm0, v9, v11;
	v11 =	vor.u32 s22, v0  }
0x52: {  	v17 =	vmov s22;
	v14 =	vld [tilespmem:s16+$0x0];
	s25 =	sadd.s32 s23, s10;
	s22 =	sadd.s32 $0xFFFFFFF0, s23;
	s13 =	sadd.s32 $0x10, s1;
	vm1 =	vgt.f32 v10, v9;
	vm2 =	vne.s32 v11, v1  }
0x53: {  	v16 =	vld [tilespmem:s16+$0x80];
	s16 =	sadd.s32 $0x2, s26;
	v6 =	vsel vm0, v6, v8;
	s26 =	sadd.s32 $0xFFFFFFF0, s25;
	s14 =	sor.u32 $0x100, s13;
	vm1 =	vmand vm2, vm1  }
0x54: {  	s16 =	sand.u32 $0x3, s16;
	s13 =	sor.u32 $0x180, s13;
	vm2 =	vlt.u32 v17, $0xF4240;
	v15 =	vmul.f32 v15, v5;
	v13 =	vmul.f32 v13, v3;
	v18 =	vld [tilespmem:s14+$0x0];
	s14 =	sand.u32 $0x60, s22  }
0x55: {  	v19 =	vor.u32 s26, v0;
	v48 =	vmov s26;
	v42 =	vld [tilespmem:s13+$0x0];
	s22 =	sadd.s32 $0x100, s24;
	vm1 =	vmand vm2, vm1;
	s13 =	sshll.u32 s16, $0x5;
	s14 =	sor.u32 s14, s28  }
0x56: {  	s16 =	sadd.s32 $0xFFFFFFE0, s25;
	v7 =	vmul.f32 v7, v4;
	v12 =	vmul.f32 v12, v2;
	v9 =	vsel vm1, v10, v9;
	s0 =	sadd.s32 s13, s22;
	v10 =	vld [tilespmem:s14+$0x0]  }
0x57: {  	v20 =	vmov s16;
	v13 =	vadd.f32 v13, v15;
	v23 =	vor.u32 s16, v0;
	v21 =	vld [tilespmem:s14+$0x80];
	s24 =	sor.u32 $0x100, s0  }
0x58: {  	s13 =	sadd.s32 $0xFFFFFFD0, s25;
	s22 =	sand.u32 $0x70, s23;
	s0 =	sor.u32 $0x180, s0;
	v14 =	vmul.f32 v14, v5;
	v16 =	vmul.f32 v16, v3;
	v7 =	vadd.f32 v12, v7;
	v15 =	vld [tilespmem:s24+$0x0]  }
0x59: {  	s1 =	sadd.s32 $0x30, s1;
	s23 =	sor.u32 s22, s28;
	v43 =	vor.u32 s13, v0;
	vm4 =	vlt.u32 v20, $0xF4240;
	v12 =	vmov s13;
	v22 =	vld [tilespmem:s0+$0x0]  }
0x5a: {  	v44 =	vld [tilespmem:s23+$0x0];
	s24 =	sor.u32 $0x100, s1;
	v7 =	vadd.f32 v7, v13;
	v13 =	vmul.f32 v18, v4;
	v17 =	vmul.f32 v42, v2  }
0x5b: {  	vm2 =	vne.s32 v43, v1;
	v14 =	vadd.f32 v16, v14;
	vm5 =	vlt.u32 v12, $0xF4240;
	v12 =	vld [tilespmem:s24+$0x0]  }
0x5c: {  	v45 =	vld [tilespmem:s23+$0x80];
	s13 =	sor.u32 $0x180, s1;
	v13 =	vadd.f32 v17, v13;
	vm3 =	vgt.f32 v7, v9;
	v10 =	vmul.f32 v10, v5  }
0x5d: {  	p0 =	por $0x0, $0x0;
	s22 =	simm.s32 $0x0;
	v47 =	vld [tilespmem:s13+$0x0];
	v46 =	vmul.f32 v21, v3;
	vm2 =	vmand vm2, vm3;
	v15 =	vmul.f32 v15, v4  }
0x5e: {  	s14 =	simm.s32 $0x0;
	s16 =	sand.u32 $0xFE00, s22;
	_ =	swait.ge [sflag:s18], $0xF600;
	vm2 =	vmand vm5, vm2;
	v13 =	vadd.f32 v13, v14;
	v14 =	vmul.f32 v22, v2  }
0x5f: {  	s0 =	sand.u32 $0x40, s14;
	s26 =	sadd.s32 $0xF600, s16;
	[sflag:s18] =	ssyncset.done $0x0;
	vm3 =	vne.s32 v23, v1;
	v10 =	vadd.f32 v46, v10;
	v7 =	vsel vm2, v7, v9  }
0x60: {  	s13 =	simm.s32 $0x1;
	s0 =	sor.u32 s0, s26;
	[sflag:s18] =	ssyncadd.s32 $0xFFFF0A00;
	v12 =	vmul.f32 v12, v4;
	vm11 =	vgt.f32 v13, v7;
	v14 =	vadd.f32 v14, v15  }
0x61: {  	s13 =	simm.s32 @!p0 $0x0;
	v8 =	vld [tilespmem:s0+$0x0];
	v9 =	vmul.f32 v44, v5;
	v15 =	vmul.f32 v45, v3;
	vm3 =	vmand vm3, vm11  }
0x62: {  	s23 =	sshll.u32 s13, $0x6;
	vm3 =	vmand vm4, vm3;
	v10 =	vadd.f32 v14, v10;
	v14 =	vmul.f32 v47, v2  }
0x63: {  	vm12 =	vne.s32 v19, v1;
	v6 =	vsel vm1, v11, v6;
	s24 =	sand.u32 $0x7, s22;
	s1 =	sadd.s32 $0x0, s23;
	v11 =	vld [tilespmem:s0+$0x80];
	v7 =	vsel vm3, v13, v7  }
0x64: {  	s14 =	sshll.u32 s24, $0x4;
	s13 =	simm.s32 $0x10;
	s23 =	sor.u32 $0x180, s1;
	v9 =	vadd.f32 v15, v9;
	vm13 =	vgt.f32 v10, v7;
	v12 =	vadd.f32 v14, v12  }
0x65: {  	vm14 =	vlt.u32 v48, $0xF4240;
	s24 =	sand.u32 $0x50, s13;
	s13 =	sadd.s32 $0x0, s14;
	s16 =	sor.u32 $0x100, s1;
	v6 =	vsel vm2, v43, v6;
	v14 =	vld [tilespmem:s23+$0xF600];
	vm0 =	vmand vm12, vm13  }
0x66: {  	s1 =	sadd.s32 $0x10, s13;
	v8 =	vmul.f32 v8, v5;
	vm0 =	vmand vm14, vm0;
	v9 =	vadd.f32 v12, v9;
	v12 =	vld [tilespmem:s16+$0xF600];
	s16 =	sor.u32 s24, s26  }
0x67: {  	v13 =	vmov s25;
	v7 =	vsel vm0, v10, v7;
	v10 =	vor.u32 s25, v0;
	v15 =	vld [tilespmem:s16+$0x80];
	s25 =	sor.u32 $0x100, s1  }
0x68: {  	v11 =	vmul.f32 v11, v3;
	s1 =	sor.u32 $0x180, s1;
	vm1 =	vgt.f32 v9, v7;
	vm2 =	vne.s32 v10, v1;
	v49 =	vld [tilespmem:s25+$0xF600]  }
0x69: {  	v6 =	vsel vm3, v23, v6;
	s23 =	simm.s32 $0x20;
	v50 =	vld [tilespmem:s1+$0xF600];
	vm1 =	vmand vm2, vm1;
	vm2 =	vlt.u32 v13, $0xF4240  }
0x6a: {  	v8 =	vadd.f32 v11, v8;
	s24 =	sadd.s32 $0x20, s10;
	v6 =	vsel vm0, v19, v6;
	s25 =	sand.u32 $0x60, s23;
	v13 =	vld [tilespmem:s16+$0x0];
	s16 =	sand.u32 $0x3, s22;
	vm0 =	vmand vm2, vm1  }
0x6b: {  	s14 =	sadd.s32 $0x3D80, s24;
	s1 =	sor.u32 s25, s26;
	v14 =	vmul.f32 v14, v2;
	s16 =	sshll.u32 s16, $0x5;
	v9 =	vsel vm0, v9, v7;
	v10 =	vsel vm0, v10, v6  }
0x6c: {  	s0 =	sadd.s32 $0x3D70, s24;
	s25 =	sadd.s32 $0x3D60, s24;
	v52 =	vld [tilespmem:s1+$0x0];
	v7 =	vmov s14;
	v6 =	vor.u32 s14, v0;
	s14 =	sadd.s32 $0x20, s16;
	v12 =	vmul.f32 v12, v4  }
0x6d: {  	v51 =	vmov s0;
	v55 =	vor.u32 s0, v0;
	v53 =	vmov s25;
	v56 =	vld [tilespmem:s1+$0x80];
	s16 =	simm.s32 $0x30;
	s1 =	sor.u32 $0x100, s14  }
0x6e: {  	v54 =	vor.u32 s25, v0;
	vm1 =	vne.s32 v55, v1;
	s25 =	sor.u32 $0x180, s14;
	v11 =	vadd.f32 v14, v12;
	v12 =	vld [tilespmem:s1+$0xF600];
	s1 =	sand.u32 $0x70, s16  }
0x6f: {  	vm0 =	vlt.u32 v51, $0xF4240;
	v14 =	vmul.f32 v15, v3;
	v15 =	vld [tilespmem:s25+$0xF600];
	v57 =	vmul.f32 v50, v2;
	s14 =	sor.u32 s1, s26  }
0x70: {  	s16 =	sadd.s32 $0x30, s13;
	v13 =	vmul.f32 v13, v5;
	v8 =	vadd.f32 v11, v8;
	v11 =	vmul.f32 v49, v4;
	v58 =	vld [tilespmem:s14+$0x0]  }
0x71: {  	vm2 =	vne.s32 v54, v1;
	vm3 =	vlt.u32 v53, $0xF4240;
	s25 =	sor.u32 $0x100, s16;
	v59 =	vmul.f32 v52, v5;
	v60 =	vld [tilespmem:s14+$0x80]  }
0x72: {  	s26 =	sor.u32 $0x180, s16;
	v13 =	vadd.f32 v14, v13;
	v14 =	vld [tilespmem:s25+$0xF600];
	vm15 =	vgt.f32 v8, v9;
	v11 =	vadd.f32 v57, v11  }
0x73: {  	v61 =	vmul.f32 v56, v3;
	v62 =	vld [tilespmem:s26+$0xF600];
	vm2 =	vmand vm2, vm15;
	v12 =	vmul.f32 v12, v4  }
0x74: {  	vm2 =	vmand vm3, vm2;
	v11 =	vadd.f32 v11, v13;
	v13 =	vmul.f32 v15, v2  }
0x75: {  	s29 =	simm.s32 $0x4;
	v8 =	vsel vm2, v8, v9;
	v15 =	vsel vm2, v54, v10;
	v10 =	vmul.f32 v58, v5  }
0x76: {  	s30 =	simm.s32 $0xA0;
	p0 =	por !p0, !p0;
	s26 =	simm.s32 $0x100;
	v9 =	vadd.f32 v61, v59;
	vm2 =	vgt.f32 v11, v8;
	v63 =	vadd.f32 v13, v12  }
0x77: {  	s13 =	simm.s32 $0x1;
	s1 =	simm.s32 $0x40;
	s14 =	sand.u32 $0xFE00, s26;
	v12 =	vmul.f32 v60, v3;
	v13 =	vmul.f32 v14, v4;
	vm1 =	vmand vm1, vm2  }
0x78: {  	s13 =	simm.s32 @!p0 $0x0;
	s16 =	sand.u32 $0x40, s1;
	s28 =	sadd.s32 $0xF600, s14;
	v14 =	vmul.f32 v62, v2;
	vm0 =	vmand vm0, vm1;
	v9 =	vadd.f32 v63, v9  }
0x79: {  	s0 =	sshll.u32 s13, $0x6;
	s25 =	simm.s32 $0x60;
	s31 =	sor.u32 s16, s28;
	v11 =	vsel vm0, v11, v8;
	v8 =	vsel vm0, v55, v15;
	vm0 =	vne.s32 v6, v1  }
.LBB2_4:
0x7a: {  	p1 =	sne.s32 s30, $0x3D60;
	s0 =	sadd.s32 s0, s26;
	v15 =	vld [tilespmem:s31+$0x0];
	s1 =	sadd.s32 $0xFFFFFFF0, s25;
	vm1 =	vgt.f32 v9, v11;
	v10 =	vadd.f32 v12, v10;
	v12 =	vadd.f32 v14, v13  }
0x7b: {  	s13 =	sand.u32 $0x7, s29;
	s16 =	sadd.s32 $0x3D90, s24;
	v13 =	vld [tilespmem:s31+$0x80];
	s14 =	sor.u32 $0x100, s0;
	vm0 =	vmand vm0, vm1;
	vm1 =	vlt.u32 v7, $0xF4240  }
0x7c: {  	s13 =	sshll.u32 s13, $0x4;
	s0 =	sor.u32 $0x180, s0;
	s1 =	sand.u32 $0x50, s1;
	v14 =	vld [tilespmem:s14+$0xF600];
	vm0 =	vmand vm1, vm0;
	v10 =	vadd.f32 v12, v10  }
0x7d: {  	s24 =	sadd.s32 s25, s10;
	s31 =	sadd.s32 s13, s26;
	v12 =	vld [tilespmem:s0+$0xF600];
	s0 =	sor.u32 s1, s28;
	v9 =	vsel vm0, v9, v11;
	v8 =	vsel vm0, v6, v8;
	v11 =	vor.u32 s16, v0  }
0x7e: {  	s13 =	sadd.s32 $0x3D80, s24;
	s1 =	sadd.s32 $0x10, s31;
	v6 =	vmov s16;
	v16 =	vld [tilespmem:s0+$0x0];
	vm0 =	vgt.f32 v10, v9;
	vm1 =	vne.s32 v11, v1  }
0x7f: {  	s23 =	sadd.s32 $0x100, s23;
	s22 =	sadd.s32 $0x2, s22;
	v7 =	vmov s13;
	v17 =	vld [tilespmem:s0+$0x80];
	s0 =	sor.u32 $0x100, s1;
	vm0 =	vmand vm1, vm0;
	vm1 =	vlt.u32 v6, $0xF4240  }
0x80: {  	s14 =	sand.u32 $0x3, s22;
	v15 =	vmul.f32 v15, v5;
	v6 =	vor.u32 s13, v0;
	v18 =	vld [tilespmem:s0+$0xF600];
	s0 =	sor.u32 $0x180, s1;
	s1 =	sand.u32 $0x60, s25;
	vm0 =	vmand vm1, vm0  }
0x81: {  	s13 =	sshll.u32 s14, $0x5;
	v13 =	vmul.f32 v13, v3;
	v19 =	vld [tilespmem:s0+$0xF600];
	s0 =	sadd.s32 $0x3D70, s24;
	s1 =	sor.u32 s1, s28;
	v9 =	vsel vm0, v10, v9;
	v8 =	vsel vm0, v11, v8  }
0x82: {  	s14 =	sadd.s32 $0x3D60, s24;
	s13 =	sadd.s32 s13, s23;
	v10 =	vmul.f32 v14, v4;
	v11 =	vmul.f32 v12, v2;
	v12 =	vmov s0;
	v14 =	vld [tilespmem:s1+$0x0]  }
0x83: {  	v20 =	vmov s14;
	v21 =	vor.u32 s14, v0;
	v22 =	vor.u32 s0, v0;
	s0 =	sor.u32 $0x100, s13;
	v23 =	vld [tilespmem:s1+$0x80];
	s1 =	sadd.s32 $0x10, s25;
	s25 =	smov.u32 s30  }
0x84: {  	v13 =	vadd.f32 v13, v15;
	vm0 =	vlt.u32 v12, $0xF4240;
	v10 =	vadd.f32 v11, v10;
	v11 =	vld [tilespmem:s0+$0xF600];
	s0 =	sor.u32 $0x180, s13;
	s1 =	sand.u32 $0x70, s1  }
0x85: {  	v12 =	vmul.f32 v16, v5;
	vm1 =	vne.s32 v22, v1;
	v15 =	vmul.f32 v17, v3;
	v16 =	vld [tilespmem:s0+$0xF600];
	s0 =	sor.u32 s1, s28  }
0x86: {  	s1 =	sadd.s32 $0x30, s31;
	v10 =	vadd.f32 v10, v13;
	v13 =	vmul.f32 v18, v4;
	v17 =	vmul.f32 v19, v2;
	v18 =	vld [tilespmem:s0+$0x0]  }
0x87: {  	vm2 =	vne.s32 v21, v1;
	vm3 =	vlt.u32 v20, $0xF4240;
	v14 =	vmul.f32 v14, v5;
	v19 =	vld [tilespmem:s0+$0x80];
	s0 =	sor.u32 $0x100, s1  }
0x88: {  	v12 =	vadd.f32 v15, v12;
	vm4 =	vgt.f32 v10, v9;
	v13 =	vadd.f32 v17, v13;
	v15 =	vld [tilespmem:s0+$0xF600];
	s0 =	sor.u32 $0x180, s1  }
0x89: {  	v17 =	vmul.f32 v23, v3;
	vm2 =	vmand vm2, vm4;
	v11 =	vmul.f32 v11, v4;
	v20 =	vld [tilespmem:s0+$0xF600]  }
0x8a: {  	vm2 =	vmand vm3, vm2;
	v23 =	vadd.f32 v13, v12;
	v12 =	vmul.f32 v16, v2  }
.Ltmp1:
0x8b: {  	v16 =	vsel vm2, v10, v9;
	v8 =	vsel vm2, v21, v8;
	v10 =	vmul.f32 v18, v5;
	(pc) =	sbr.rel @p1 .LBB2_4-.Ltmp1, $4  }
0x8c: {  	s29 =	sadd.s32 $0x4, s29;
	p0 =	por !p0, !p0;
	s26 =	sadd.s32 $0x100, s26;
	v9 =	vadd.f32 v17, v14;
	vm2 =	vgt.f32 v23, v16;
	v11 =	vadd.f32 v12, v11  }
0x8d: {  	s13 =	simm.s32 $0x1;
	s1 =	sand.u32 $0xFE00, s26;
	s0 =	sadd.s32 $0xFFFFFFE0, s30;
	v12 =	vmul.f32 v19, v3;
	vm1 =	vmand vm1, vm2;
	v13 =	vmul.f32 v15, v4  }
0x8e: {  	s13 =	simm.s32 @!p0 $0x0;
	s28 =	sadd.s32 $0xF600, s1;
	s14 =	sand.u32 $0x40, s0;
	vm0 =	vmand vm0, vm1;
	v9 =	vadd.f32 v11, v9;
	v14 =	vmul.f32 v20, v2  }
0x8f: {  	s30 =	sadd.s32 $0x40, s30;
	s0 =	sshll.u32 s13, $0x6;
	s31 =	sor.u32 s14, s28;
	v11 =	vsel vm0, v23, v16;
	v8 =	vsel vm0, v22, v8;
	vm0 =	vne.s32 v6, v1  }
0x90: {  	s0 =	sadd.s32 s0, s26;
	v15 =	vld [tilespmem:s31+$0x0]  }
0x91: {  	s1 =	sadd.s32 $0xFFFFFFF0, s25;
	vm1 =	vgt.f32 v9, v11;
	v10 =	vadd.f32 v12, v10;
	v36 =	vadd.f32 v14, v13;
	s13 =	sand.u32 $0x7, s29;
	v37 =	vld [tilespmem:s31+$0x80];
	s14 =	sor.u32 $0x100, s0  }
0x92: {  	vm11 =	vlt.u32 v7, $0xF4240;
	vm0 =	vmand vm0, vm1;
	s13 =	sshll.u32 s13, $0x4;
	s0 =	sor.u32 $0x180, s0;
	s1 =	sand.u32 $0x50, s1;
	v38 =	vld [tilespmem:s14+$0xF600]  }
0x93: {  	s16 =	sadd.s32 $0x3D90, s24;
	vm0 =	vmand vm11, vm0;
	v10 =	vadd.f32 v36, v10;
	s13 =	sadd.s32 s13, s26;
	v39 =	vld [tilespmem:s0+$0xF600];
	s26 =	sor.u32 s1, s28  }
0x94: {  	s24 =	sadd.s32 s25, s10;
	s31 =	sadd.s32 $0x2, s22;
	v41 =	vor.u32 s16, v0;
	v40 =	vsel vm0, v9, v11;
	v42 =	vld [tilespmem:s26+$0x0];
	s29 =	sadd.s32 $0x10, s13  }
0x95: {  	v17 =	vmov s16;
	s22 =	sadd.s32 $0x3D80, s24;
	s16 =	sand.u32 $0x60, s25;
	vm2 =	vne.s32 v41, v1;
	v16 =	vld [tilespmem:s26+$0x80];
	vm12 =	vgt.f32 v10, v40;
	s30 =	sor.u32 $0x100, s29  }
0x96: {  	vm13 =	vlt.u32 v17, $0xF4240;
	s14 =	sand.u32 $0x3, s31;
	v19 =	vor.u32 s22, v0;
	s1 =	sor.u32 $0x180, s29;
	s29 =	sadd.s32 $0x3D60, s24;
	vm1 =	vmand vm2, vm12;
	v18 =	vld [tilespmem:s30+$0xF600]  }
0x97: {  	s26 =	sadd.s32 $0x100, s23;
	v15 =	vmul.f32 v15, v5;
	v13 =	vmul.f32 v37, v3;
	v43 =	vld [tilespmem:s1+$0xF600];
	s1 =	sshll.u32 s14, $0x5;
	s14 =	sor.u32 s16, s28;
	v45 =	vmov s29  }
0x98: {  	s16 =	sadd.s32 $0x3D70, s24;
	v48 =	vor.u32 s29, v0;
	s0 =	sadd.s32 s1, s26;
	v44 =	vld [tilespmem:s14+$0x0];
	v7 =	vmul.f32 v38, v4;
	v12 =	vmul.f32 v39, v2  }
0x99: {  	s31 =	sadd.s32 $0x10, s25;
	vm1 =	vmand vm13, vm1;
	v20 =	vmov s16;
	v21 =	vld [tilespmem:s14+$0x80];
	v23 =	vor.u32 s16, v0;
	s30 =	sor.u32 $0x100, s0  }
0x9a: {  	s25 =	sand.u32 $0x70, s31;
	vm14 =	vne.s32 v48, v1;
	v13 =	vadd.f32 v13, v15;
	s0 =	sor.u32 $0x180, s0;
	v46 =	vld [tilespmem:s30+$0xF600];
	v7 =	vadd.f32 v12, v7  }
0x9b: {  	s26 =	sor.u32 s25, s28;
	vm5 =	vlt.u32 v45, $0xF4240;
	v14 =	vmul.f32 v42, v5;
	v16 =	vmul.f32 v16, v3;
	v22 =	vld [tilespmem:s0+$0xF600]  }
0x9c: {  	s28 =	sadd.s32 $0x30, s13;
	v49 =	vld [tilespmem:s26+$0x0];
	v47 =	vmul.f32 v18, v4;
	v17 =	vmul.f32 v43, v2;
	v7 =	vadd.f32 v7, v13  }
0x9d: {  	v9 =	vsel vm1, v10, v40;
	v50 =	vld [tilespmem:s26+$0x80];
	s29 =	sor.u32 $0x100, s28;
	vm4 =	vlt.u32 v20, $0xF4240;
	v14 =	vadd.f32 v16, v14  }
0x9e: {  	v51 =	vld [tilespmem:s29+$0xF600];
	s30 =	sor.u32 $0x180, s28;
	v10 =	vmul.f32 v44, v5;
	v13 =	vadd.f32 v17, v47;
	vm3 =	vgt.f32 v7, v9  }
0x9f: {  	v53 =	vld [tilespmem:s30+$0xF600];
	v52 =	vmul.f32 v21, v3;
	v15 =	vmul.f32 v46, v4;
	vm2 =	vmand vm14, vm3  }
0xa0: {  	v54 =	vmul.f32 v22, v2;
	v13 =	vadd.f32 v13, v14;
	vm2 =	vmand vm5, vm2  }
0xa1: {  	vm15 =	vne.s32 v23, v1;
	v55 =	vmul.f32 v49, v5;
	v7 =	vsel vm2, v7, v9  }
0xa2: {  	v56 =	vadd.f32 v52, v10;
	v57 =	vadd.f32 v54, v15;
	vm8 =	vgt.f32 v13, v7  }
0xa3: {  	v3 =	vmul.f32 v50, v3;
	v58 =	vmul.f32 v51, v4;
	vm3 =	vmand vm15, vm8  }
0xa4: {  	v2 =	vmul.f32 v53, v2;
	v9 =	vadd.f32 v57, v56;
	vm3 =	vmand vm4, vm3  }
0xa5: {  	v59 =	vmov s22;
	vm9 =	vne.s32 v19, v1;
	v7 =	vsel vm3, v13, v7  }
0xa6: {  	v3 =	vadd.f32 v3, v55;
	v2 =	vadd.f32 v2, v58;
	vm10 =	vgt.f32 v9, v7  }
0xa7: {  	vm11 =	vlt.u32 v59, $0xF4240;
	vm4 =	vmand vm9, vm10  }
0xa8: {  	v60 =	vsel vm0, v6, v8;
	s31 =	sadd.s32 $0x3D90, s24;
	v2 =	vadd.f32 v2, v3;
	vm12 =	vmand vm11, vm4  }
0xa9: {  	v62 =	vor.u32 s31, v0;
	v63 =	vmov s31;
	v61 =	vsel vm12, v9, v7  }
0xaa: {  	vm14 =	vne.s32 v62, v1;
	v3 =	vsel vm1, v41, v60;
	vm13 =	vgt.f32 v2, v61  }
0xab: {  	vm15 =	vlt.u32 v63, $0xF4240;
	v1 =	vsel vm2, v48, v3;
	vm1 =	vmand vm14, vm13  }
0xac: {  	v1 =	vsel vm3, v23, v1;
	vm1 =	vmand vm15, vm1  }
0xad: {  	v1 =	vsel vm12, v19, v1;
	v2 =	vsel vm1, v2, v61  }
0xae: {  	v1 =	vsel vm1, v62, v1;
	[tilespmem:$0x1EE80] =	vst v2  }
0xaf: {  	[tilespmem:$0x1EF00] =	vst v1  }
0xb0: {  	[hbm4b:s7+s2] =	stream.linear.scatter [tilespmem:s19], [sflag:$0x3], $0x80, $0x38;
	[tilespmem:$0x1EF80] =	vst v63  }
0xb1: {  	s21 =	sadd.s32 $0x1, s21;
	_ =	swait.ge [sflag:s15], $0x80  }
0xb2: {  	p0 =	sne.s32 s21, s9;
	[sflag:s15] =	ssyncset.done $0x0  }
.Ltmp2:
0xb3: {  	[sflag:s15] =	ssyncadd.s32 $0xFFFFFF80;
	(pc) =	sbr.rel @p0 .LBB2_1-.Ltmp2, $4  }
0xb4: {  	[hbm4b:s8+s2] =	stream.linear.scatter [tilespmem:s20], [sflag:$0x3], $0x80, $0x38;
	[tilespmem:$0x1EF80] =	vst v63  }
0xb5: {  	_ =	swait.ge [sflag:s15], $0x80  }
0xb6: {  	[sflag:s15] =	ssyncset.done $0x0  }
0xb7: {  	[sflag:s15] =	ssyncadd.s32 $0xFFFFFF80  }
0xb8: {  	_ =	sfence.sel $0x180000  }
0xb9: {  	[bflag:$0x0] =	sbarrier.arrive $0xFFFF  }
0xba: {  	_ =	strace $0x90000047  }
0xbb: {  	s0 =	stileid.u32;
	[bflag:$0x2] =	sbarrier.arrive $0xFFFF  }
0xbc: {  	p0 =	sne.s32 s0, $0x0;
	s0 =	rddreg [dreg:$0x2]  }
0xbd: {  	s0 =	sadd.s32 @!p0 $0x100000, s0  }
0xbe: {  	[sflag:s0] =	ssyncadd.tile.s32 @!p0 $0x1;
	_ =	shalt  }
.Lfunc_end2:
_tile_overlayer_lowered:
.L_overlay_start_2:
0xbf: {  	(tag) =	ssettag $0x2  }
0xc0: {  	s0 =	rddreg [dreg:$0x0];
	s2 =	stileid.u32  }
0xc1: {  	s1 =	rddreg [dreg:$0x1];
	p0 =	sne.s32 s2, $0x0  }
0xc2: {  	s3 =	rddreg [dreg:$0x2];
	[bflag:$0x3] =	sbarrier.arrive $0xFFFF;
	s2 =	simm.s32 @!p0 $0x1C03  }
0xc3: {  	[timem:s3], [sflag:s2] =	dma.local @!p0 [hbm:s0], s1  }
0xc4: {  	s0 =	simm.s32 @!p0 $0x3  }
0xc5: {  	_ =	swait.ge @!p0 [sflag:s0], s1  }
0xc6: {  	s1 =	ssub.s32 @!p0 $0x0, s1;
	[sflag:s0] =	ssyncset.done @!p0 $0x0  }
0xc7: {  	[sflag:s0] =	ssyncadd.s32 @!p0 s1  }
0xc8: {  	[bflag:$0x3] =	sbarrier.arrive $0xFFFF  }
0xc9: {  	_ =	shalt  }

</sc_bundles>
